<compile_context>
chip_gen: v7x
topology: tpu7x:2x2x1
jax: 0.10.2.dev20260603
libtpu: 0.0.44.dev20260713+nightly
codegen_flags: <defaults>
</compile_context>

<pallas_src>
import functools

import jax
import jax.numpy as jnp
import numpy as np
from jax import lax
from jax.experimental import pallas as pl
from jax.experimental.pallas import tpu as pltpu
from jax.experimental.pallas import tpu_sc as plsc

N_NODES = 10000
N_PAD = 10240
N_EDGES = 320000
CHUNK = 128
N_WORKERS = 32
E_PAD = 327680
IN_CH = 128
MID = 8
HEADS = 8
OUT_CH = 32
NEG_SLOPE = 0.28
EPS = 1e-16


@functools.lru_cache(maxsize=None)
def _make_sc_edge_pass(D, heads, ch):
    assert heads * ch + 16 == D and D % 16 == 0
    msg_groups = (heads * ch) // 16
    rows_per_sub = N_PAD // 16
    chunks_per_worker = E_PAD // (N_WORKERS * CHUNK)
    zcopies = rows_per_sub // CHUNK
    mesh = plsc.VectorSubcoreMesh(core_axis_name="c", subcore_axis_name="s")

    @functools.partial(
        pl.kernel,
        mesh=mesh,
        compiler_params=pltpu.CompilerParams(
            use_tc_tiling_on_sc=False, needs_layout_passes=False),
        out_type=jax.ShapeDtypeStruct((2, N_PAD, D), jnp.float32),
        scratch_types=[
            pltpu.VMEM((CHUNK,), jnp.int32),
            pltpu.VMEM((CHUNK,), jnp.int32),
            pltpu.VMEM((CHUNK, D), jnp.float32),
            pltpu.VMEM((CHUNK, 16), jnp.float32),
            pltpu.VMEM((CHUNK, D), jnp.float32),
            pltpu.VMEM((CHUNK, D), jnp.float32),
            pltpu.VMEM_SHARED((N_PAD, D), jnp.float32),
            pltpu.SemaphoreType.DMA,
            pltpu.SemaphoreType.DMA,
        ],
    )
    def edge_pass(s_hbm, ad_hbm, src_hbm, dst_hbm, acc_hbm,
                  idx_s, idx_d, rows_v, adrows_v, acc_v, zero_v, acc_sh,
                  sem1, sem2):
        c = lax.axis_index("c")
        s = lax.axis_index("s")
        wid = c * 16 + s
        zvec = jnp.zeros((16,), jnp.float32)

        def zrow(k, _):
            i = k // (D // 16)
            j = k % (D // 16)
            zero_v[i, pl.ds(16 * j, 16)] = zvec
            return 0
        lax.fori_loop(0, CHUNK * (D // 16), zrow, 0)
        for t in range(zcopies):
            pltpu.sync_copy(
                zero_v, acc_sh.at[pl.ds(s * rows_per_sub + t * CHUNK, CHUNK)])
        plsc.subcore_barrier()

        def chunk_body(j, _):
            base = (wid * chunks_per_worker + j) * CHUNK
            pltpu.sync_copy(src_hbm.at[pl.ds(base, CHUNK)], idx_s)
            pltpu.sync_copy(dst_hbm.at[pl.ds(base, CHUNK)], idx_d)
            cp1 = pltpu.async_copy(s_hbm.at[idx_s], rows_v, sem1)
            cp2 = pltpu.async_copy(ad_hbm.at[idx_d], adrows_v, sem2)
            cp1.wait()
            cp2.wait()

            def edge_body(i, _):
                t_ = rows_v[i, pl.ds(heads * ch, 16)] + adrows_v[i, :]
                t_ = jnp.where(t_ >= 0, t_, NEG_SLOPE * t_)
                ex = jnp.exp(t_)
                acc_v[i, pl.ds(heads * ch, 16)] = ex
                if heads == 1:
                    for g in range(msg_groups):
                        acc_v[i, pl.ds(16 * g, 16)] = (
                            rows_v[i, pl.ds(16 * g, 16)] * ex)
                    return 0
                lane = lax.broadcasted_iota(jnp.int32, (16,), 0)
                row_idx = jnp.full((16,), i, jnp.int32)
                for g in range(msg_groups):
                    base = (16 * g) // ch
                    thr = min(16, ch - (16 * g) % ch)
                    hidx = base + (lane >= thr).astype(jnp.int32)
                    exg = plsc.load_gather(acc_v, [row_idx,
                                                   heads * ch + hidx])
                    acc_v[i, pl.ds(16 * g, 16)] = (
                        rows_v[i, pl.ds(16 * g, 16)] * exg)
                return 0
            lax.fori_loop(0, CHUNK, edge_body, 0)
            pltpu.sync_copy(acc_v, acc_sh.at[idx_d], add=True)
            return 0
        lax.fori_loop(0, chunks_per_worker, chunk_body, 0)
        plsc.subcore_barrier()
        pltpu.sync_copy(acc_sh.at[pl.ds(s * rows_per_sub, rows_per_sub)],
                        acc_hbm.at[c, pl.ds(s * rows_per_sub, rows_per_sub)])

    return edge_pass


_ROWS = 1280


def _k1_body(x_ref, w_ref, as_ref, ad_ref, o_ref):
    h = jnp.dot(x_ref[...], w_ref[...], preferred_element_type=jnp.float32)
    ps = h * as_ref[...]
    pd = h * ad_ref[...]
    o_ref[:, :HEADS * MID] = h
    z8 = jnp.zeros((_ROWS, HEADS), jnp.float32)
    o_ref[:, 72:80] = z8
    o_ref[:, 88:96] = z8
    for hd in range(HEADS):
        lo, hi = hd * MID, (hd + 1) * MID
        o_ref[:, 64 + hd:65 + hd] = jnp.sum(ps[:, lo:hi], axis=1,
                                            keepdims=True)
        o_ref[:, 80 + hd:81 + hd] = jnp.sum(pd[:, lo:hi], axis=1,
                                            keepdims=True)


def _k1(xp, w1, a_s, a_d):
    return pl.pallas_call(
        _k1_body,
        grid=(N_PAD // _ROWS,),
        in_specs=[pl.BlockSpec((_ROWS, IN_CH), lambda i: (i, 0)),
                  pl.BlockSpec((IN_CH, 64), lambda i: (0, 0)),
                  pl.BlockSpec((1, 64), lambda i: (0, 0)),
                  pl.BlockSpec((1, 64), lambda i: (0, 0))],
        out_specs=pl.BlockSpec((_ROWS, 96), lambda i: (i, 0)),
        out_shape=jax.ShapeDtypeStruct((N_PAD, 96), jnp.float32),
    )(xp, w1, a_s, a_d)


def _k2_body(aa_ref, ab_ref, bias_ref, w_ref, as_ref, ad_ref, o_ref):
    a = aa_ref[...] + ab_ref[...]
    msg = a[:, : HEADS * MID]
    den = a[:, HEADS * MID: HEADS * MID + HEADS]
    segs = []
    for hd in range(HEADS):
        segs.append(msg[:, hd * MID:(hd + 1) * MID]
                    / (den[:, hd:hd + 1] + EPS))
    x2 = jnp.concatenate(segs, axis=1) + bias_ref[...]
    x2 = jnp.where(x2 > 0, x2, jnp.exp(jnp.minimum(x2, 0.0)) - 1.0)
    h2 = jnp.dot(x2, w_ref[...], preferred_element_type=jnp.float32)
    o_ref[:, :OUT_CH] = h2
    as2 = jnp.sum(h2 * as_ref[...], axis=1, keepdims=True)
    ad2 = jnp.sum(h2 * ad_ref[...], axis=1, keepdims=True)
    for k in range(16):
        o_ref[:, 32 + k:33 + k] = as2
        o_ref[:, 48 + k:49 + k] = ad2


def _k2(a1a, a1b, b1, w2, a_s2, a_d2):
    return pl.pallas_call(
        _k2_body,
        grid=(N_PAD // _ROWS,),
        in_specs=[pl.BlockSpec((_ROWS, 80), lambda i: (i, 0)),
                  pl.BlockSpec((_ROWS, 80), lambda i: (i, 0)),
                  pl.BlockSpec((1, 64), lambda i: (0, 0)),
                  pl.BlockSpec((64, OUT_CH), lambda i: (0, 0)),
                  pl.BlockSpec((1, OUT_CH), lambda i: (0, 0)),
                  pl.BlockSpec((1, OUT_CH), lambda i: (0, 0))],
        out_specs=pl.BlockSpec((_ROWS, 64), lambda i: (i, 0)),
        out_shape=jax.ShapeDtypeStruct((N_PAD, 64), jnp.float32),
    )(a1a, a1b, b1, w2, a_s2, a_d2)


def _k3_body(aa_ref, ab_ref, bias_ref, o_ref):
    a = aa_ref[...] + ab_ref[...]
    o = a[:, :OUT_CH] / (a[:, OUT_CH:OUT_CH + 1] + EPS) + bias_ref[...]
    o = o - jnp.max(o, axis=1, keepdims=True)
    o_ref[...] = o - jnp.log(jnp.sum(jnp.exp(o), axis=1, keepdims=True))


def _k3(a2a, a2b, b2):
    return pl.pallas_call(
        _k3_body,
        grid=(N_PAD // _ROWS,),
        in_specs=[pl.BlockSpec((_ROWS, 48), lambda i: (i, 0)),
                  pl.BlockSpec((_ROWS, 48), lambda i: (i, 0)),
                  pl.BlockSpec((1, OUT_CH), lambda i: (0, 0))],
        out_specs=pl.BlockSpec((_ROWS, OUT_CH), lambda i: (i, 0)),
        out_shape=jax.ShapeDtypeStruct((N_PAD, OUT_CH), jnp.float32),
    )(a2a, a2b, b2)


def kernel(node_feature, adj_list, W1, a_src1, a_dst1, b1,
           W2, a_src2, a_dst2, b2):
    xp = jnp.pad(node_feature, ((0, N_PAD - N_NODES), (0, 0)))
    pad_idx = jnp.full((E_PAD - N_EDGES,), N_NODES, jnp.int32)
    src = jnp.concatenate([adj_list[0].astype(jnp.int32), pad_idx])
    dst = jnp.concatenate([adj_list[1].astype(jnp.int32), pad_idx])

    t1 = _k1(xp, W1, a_src1.reshape(1, HEADS * MID),
             a_dst1.reshape(1, HEADS * MID))
    s1 = t1[:, :80]
    ad1 = t1[:, 80:96]
    acc1 = _make_sc_edge_pass(80, HEADS, MID)(s1, ad1, src, dst)

    t2 = _k2(acc1[0], acc1[1], b1.reshape(1, 64), W2,
             a_src2.reshape(1, OUT_CH), a_dst2.reshape(1, OUT_CH))
    s2 = t2[:, :48]
    ad2 = t2[:, 48:64]
    acc2 = _make_sc_edge_pass(48, 1, OUT_CH)(s2, ad2, src, dst)

    out = _k3(acc2[0], acc2[1], b2.reshape(1, OUT_CH))
    return out[:N_NODES]

# --- scband reference (transcript-rebuilt; emitter-appended) ---
"""Pipeline reference for scband-bit-gat-48524540510780 (READ-ONLY COPY).

The authoritative reference and input builder live on the scoring server;
editing this copy changes nothing except your own understanding.
"""

import jax, jax.numpy as jnp
import numpy as np

N_NODES = 10000
N_EDGES = 320000
IN_CH = 128
OUT_CH = 32
HEADS = 8
MID = 8
NEG_SLOPE = 0.28


def setup_inputs(seed: int = 0) -> dict:
    key = jax.random.key(seed)
    ks = jax.random.split(key, 12)
    node_feature = jax.random.normal(ks[0], (N_NODES, IN_CH), dtype=jnp.float32)
    adj_list = jax.random.randint(ks[1], (2, N_EDGES), 0, N_NODES, dtype=jnp.int32)
    # layer 1 params: in=128 -> heads=8, mid=8 (concat -> 64)
    W1 = jax.random.normal(ks[2], (IN_CH, HEADS * MID), dtype=jnp.float32) * (1.0 / np.sqrt(IN_CH))
    a_src1 = jax.random.normal(ks[3], (HEADS, MID), dtype=jnp.float32) * (1.0 / np.sqrt(MID))
    a_dst1 = jax.random.normal(ks[4], (HEADS, MID), dtype=jnp.float32) * (1.0 / np.sqrt(MID))
    b1 = jnp.zeros((HEADS * MID,), dtype=jnp.float32)
    # layer 2 params: in=64 -> heads=1, out=32
    W2 = jax.random.normal(ks[5], (HEADS * MID, OUT_CH), dtype=jnp.float32) * (1.0 / np.sqrt(HEADS * MID))
    a_src2 = jax.random.normal(ks[6], (1, OUT_CH), dtype=jnp.float32) * (1.0 / np.sqrt(OUT_CH))
    a_dst2 = jax.random.normal(ks[7], (1, OUT_CH), dtype=jnp.float32) * (1.0 / np.sqrt(OUT_CH))
    b2 = jnp.zeros((OUT_CH,), dtype=jnp.float32)
    return {"node_feature": node_feature, "adj_list": adj_list,
            "W1": W1, "a_src1": a_src1, "a_dst1": a_dst1, "b1": b1,
            "W2": W2, "a_src2": a_src2, "a_dst2": a_dst2, "b2": b2}


def _gat_layer(x, edge_index, W, a_s, a_d, b, heads, ch):
    N = x.shape[0]
    h = (x @ W).reshape(N, heads, ch)
    src = edge_index[0]
    dst = edge_index[1]
    alpha_src = jnp.sum(h * a_s[None, :, :], axis=-1)  # [N, heads]
    alpha_dst = jnp.sum(h * a_d[None, :, :], axis=-1)  # [N, heads]
    e = alpha_src[src] + alpha_dst[dst]                # [E, heads] gather
    e = jax.nn.leaky_relu(e, NEG_SLOPE)
    # softmax over incoming edges of each dst node
    m = jax.ops.segment_max(e, dst, num_segments=N)
    m = jnp.where(jnp.isfinite(m), m, 0.0)
    ex = jnp.exp(e - m[dst])
    denom = jax.ops.segment_sum(ex, dst, num_segments=N)
    alpha = ex / (denom[dst] + 1e-16)
    msg = h[src] * alpha[..., None]                    # [E, heads, ch]
    out = jax.ops.segment_sum(msg, dst, num_segments=N)  # scatter-add
    return out.reshape(N, heads * ch) + b


def reference(node_feature, adj_list, W1, a_src1, a_dst1, b1, W2, a_src2, a_dst2, b2):
    # eval mode: dropout is identity
    h = _gat_layer(node_feature, adj_list, W1, a_src1, a_dst1, b1, HEADS, MID)
    h = jax.nn.elu(h)
    out = _gat_layer(h, adj_list, W2, a_src2, a_dst2, b2, 1, OUT_CH)
    return jax.nn.log_softmax(out, axis=1)

if __name__ == "__main__":
    import jax
    _d = setup_inputs()
    print(jax.jit(kernel)(*tuple(_d.values())))

</pallas_src>

<mosaic_0001>
#map = affine_map<(d0, d1) -> (0, 0)>
#map1 = affine_map<(d0, d1) -> (0)>
#map2 = affine_map<(d0, d1) -> (0, 0, 0)>
module attributes {stable_mosaic.version = 14 : i64} {
  func.func @edge_pass(%arg0: i32, %arg1: i32, %arg2: memref<10240x80xf32, #tpu.memory_space<hbm>>, %arg3: memref<10240x16xf32, #tpu.memory_space<hbm>>, %arg4: memref<327680xi32, #tpu.memory_space<hbm>>, %arg5: memref<327680xi32, #tpu.memory_space<hbm>>, %arg6: memref<2x10240x80xf32, #tpu.memory_space<hbm>>, %arg7: memref<128xi32, #tpu.memory_space<vmem>>, %arg8: memref<128xi32, #tpu.memory_space<vmem>>, %arg9: memref<128x80xf32, #tpu.memory_space<vmem>>, %arg10: memref<128x16xf32, #tpu.memory_space<vmem>>, %arg11: memref<128x80xf32, #tpu.memory_space<vmem>>, %arg12: memref<128x80xf32, #tpu.memory_space<vmem>>, %arg13: memref<10240x80xf32, #tpu.memory_space<vmem_shared>>, %arg14: memref<!tpu.dma_semaphore, #tpu.memory_space<semaphore_mem>>, %arg15: memref<!tpu.dma_semaphore, #tpu.memory_space<semaphore_mem>>) attributes {dimension_semantics = [#tpu.dimension_semantics<core_parallel>, #tpu.dimension_semantics<subcore_parallel>], iteration_bounds = array<i64: 2, 16>, scalar_prefetch = 0 : i64, scratch_operands = 9 : i64, tpu.core_type = #tpu.core_type<sc_vector_subcore>, window_params = [{transform_indices = #map}, {transform_indices = #map}, {transform_indices = #map1}, {transform_indices = #map1}, {transform_indices = #map2}]} {
    %mul3A = arith.constant 16 : i32
    %mul3A_0 = arith.muli %arg0, %mul3A : i32
    %add3A = arith.addi %mul3A_0, %arg1 : i32
    %broadcast_in_dim3A = arith.constant 0.000000e+00 : f32
    %broadcast_in_dim3A_1 = vector.broadcast %broadcast_in_dim3A : f32 to vector<16xf32>
    %scan3A = arith.constant 0 : i32
    %scan3A_2 = arith.constant 0 : i32
    %scan3A_3 = arith.constant 640 : i32
    %scan3A_4 = arith.addi %scan3A_2, %scan3A_3 : i32
    %scan3A_5 = arith.constant 1 : i32
    %scan3A_6 = scf.for %scan3A_40 = %scan3A_2 to %scan3A_4 step %scan3A_5 iter_args(%scan3A_41 = %scan3A) -> (i32)  : i32 {
      %jit3A = arith.constant 5 : i32
      %div3A = arith.divsi %scan3A_40, %jit3A : i32
      %sign3A = arith.constant 0 : i32
      %sign3A_42 = arith.cmpi sgt, %scan3A_40, %sign3A : i32
      %sign3A_43 = arith.extui %sign3A_42 : i1 to i32
      %sign3A_44 = arith.constant 0 : i32
      %sign3A_45 = arith.cmpi slt, %scan3A_40, %sign3A_44 : i32
      %sign3A_46 = arith.extui %sign3A_45 : i1 to i32
      %sign3A_47 = arith.subi %sign3A_43, %sign3A_46 : i32
      %sign3A_48 = arith.constant 0 : i32
      %sign3A_49 = arith.cmpi sgt, %jit3A, %sign3A_48 : i32
      %sign3A_50 = arith.extui %sign3A_49 : i1 to i32
      %sign3A_51 = arith.constant 0 : i32
      %sign3A_52 = arith.cmpi slt, %jit3A, %sign3A_51 : i32
      %sign3A_53 = arith.extui %sign3A_52 : i1 to i32
      %sign3A_54 = arith.subi %sign3A_50, %sign3A_53 : i32
      %ne3A = arith.cmpi ne, %sign3A_47, %sign3A_54 : i32
      %rem3A = arith.remsi %scan3A_40, %jit3A : i32
      %ne3A_55 = arith.constant 0 : i32
      %ne3A_56 = arith.cmpi ne, %rem3A, %ne3A_55 : i32
      %and3A = arith.andi %ne3A, %ne3A_56 : i1
      %sub3A = arith.constant 1 : i32
      %sub3A_57 = arith.subi %div3A, %sub3A : i32
      %select_n3A = arith.select %and3A, %sub3A_57, %div3A : i32
      %jit3A_58 = arith.constant 5 : i32
      %eq3A = arith.constant 0 : i32
      %eq3A_59 = arith.cmpi eq, %jit3A_58, %eq3A : i32
      %jit3A_60 = arith.constant 1 : i32
      %select_n3A_61 = arith.select %eq3A_59, %jit3A_60, %jit3A_58 : i32
      %rem3A_62 = arith.remsi %scan3A_40, %select_n3A_61 : i32
      %ne3A_63 = arith.constant 0 : i32
      %ne3A_64 = arith.cmpi ne, %rem3A_62, %ne3A_63 : i32
      %lt3A = arith.constant 0 : i32
      %lt3A_65 = arith.cmpi slt, %rem3A_62, %lt3A : i32
      %lt3A_66 = arith.constant 0 : i32
      %lt3A_67 = arith.cmpi slt, %select_n3A_61, %lt3A_66 : i32
      %ne3A_68 = arith.xori %lt3A_65, %lt3A_67 : i1
      %and3A_69 = arith.andi %ne3A_68, %ne3A_64 : i1
      %add3A_70 = arith.addi %rem3A_62, %select_n3A_61 : i32
      %select_n3A_71 = arith.select %and3A_69, %add3A_70, %rem3A_62 : i32
      %mul3A_72 = arith.constant 16 : i32
      %mul3A_73 = arith.muli %mul3A_72, %select_n3A_71 : i32
      %swap3A = arith.index_cast %select_n3A : i32 to index
      %swap3A_74 = arith.index_cast %mul3A_73 : i32 to index
      %swap3A_75 = tpu.vector_load %arg12[%swap3A, %swap3A_74] {strides = array<i32>} : memref<128x80xf32, #tpu.memory_space<vmem>>, vector<16xf32>,
      tpu.vector_store %arg12[%swap3A, %swap3A_74], %broadcast_in_dim3A_1 {strides = array<i32>} : memref<128x80xf32, #tpu.memory_space<vmem>>, vector<16xf32>,
      %scan3A_76 = arith.constant 0 : i32
      scf.yield %scan3A_76 : i32
    }
    %scan3A_7 = arith.constant 640 : i32
    %mul3A_8 = arith.constant 640 : i32
    %mul3A_9 = arith.muli %arg1, %mul3A_8 : i32
    %add3A_10 = arith.constant 0 : i32
    %add3A_11 = arith.addi %mul3A_9, %add3A_10 : i32
    "tpu.region"() ({
      %run_scoped3A = tpu.sem_alloc : memref<!tpu.dma_semaphore, #tpu.memory_space<semaphore_mem>>
      %dma_start3A = arith.constant 0 : i32
      %dma_start3A_40 = tpu.memref_slice %arg13[%add3A_11, %dma_start3A] : memref<10240x80xf32, #tpu.memory_space<vmem_shared>> -> memref<128x80xf32, #tpu.memory_space<vmem_shared>>
      %dma_start3A_41 = arith.constant 0 : i32
      %dma_start3A_42 = tpu.memref_slice %arg13[%add3A_11, %dma_start3A_41] : memref<10240x80xf32, #tpu.memory_space<vmem_shared>> -> memref<128x80xf32, #tpu.memory_space<vmem_shared>>
      tpu.enqueue_dma source(%arg12 : memref<128x80xf32, #tpu.memory_space<vmem>>) target(%dma_start3A_42 : memref<128x80xf32, #tpu.memory_space<vmem_shared>>) target_semaphore(%run_scoped3A : memref<!tpu.dma_semaphore, #tpu.memory_space<semaphore_mem>>)
      %dma_wait3A = arith.constant 0 : i32
      %dma_wait3A_43 = tpu.memref_slice %arg13[%add3A_11, %dma_wait3A] : memref<10240x80xf32, #tpu.memory_space<vmem_shared>> -> memref<128x80xf32, #tpu.memory_space<vmem_shared>>
      %dma_wait3A_44 = arith.constant 0 : i32
      %dma_wait3A_45 = tpu.memref_slice %arg13[%add3A_11, %dma_wait3A_44] : memref<10240x80xf32, #tpu.memory_space<vmem_shared>> -> memref<128x80xf32, #tpu.memory_space<vmem_shared>>
      tpu.wait_dma2 semaphore(%run_scoped3A : memref<!tpu.dma_semaphore, #tpu.memory_space<semaphore_mem>>) src(%arg12 : memref<128x80xf32, #tpu.memory_space<vmem>>) dst(%dma_wait3A_45 : memref<128x80xf32, #tpu.memory_space<vmem_shared>>)
      tpu.yield
    }) : () -> ()
    %mul3A_12 = arith.constant 640 : i32
    %mul3A_13 = arith.muli %arg1, %mul3A_12 : i32
    %add3A_14 = arith.constant 128 : i32
    %add3A_15 = arith.addi %mul3A_13, %add3A_14 : i32
    "tpu.region"() ({
      %run_scoped3A = tpu.sem_alloc : memref<!tpu.dma_semaphore, #tpu.memory_space<semaphore_mem>>
      %dma_start3A = arith.constant 0 : i32
      %dma_start3A_40 = tpu.memref_slice %arg13[%add3A_15, %dma_start3A] : memref<10240x80xf32, #tpu.memory_space<vmem_shared>> -> memref<128x80xf32, #tpu.memory_space<vmem_shared>>
      %dma_start3A_41 = arith.constant 0 : i32
      %dma_start3A_42 = tpu.memref_slice %arg13[%add3A_15, %dma_start3A_41] : memref<10240x80xf32, #tpu.memory_space<vmem_shared>> -> memref<128x80xf32, #tpu.memory_space<vmem_shared>>
      tpu.enqueue_dma source(%arg12 : memref<128x80xf32, #tpu.memory_space<vmem>>) target(%dma_start3A_42 : memref<128x80xf32, #tpu.memory_space<vmem_shared>>) target_semaphore(%run_scoped3A : memref<!tpu.dma_semaphore, #tpu.memory_space<semaphore_mem>>)
      %dma_wait3A = arith.constant 0 : i32
      %dma_wait3A_43 = tpu.memref_slice %arg13[%add3A_15, %dma_wait3A] : memref<10240x80xf32, #tpu.memory_space<vmem_shared>> -> memref<128x80xf32, #tpu.memory_space<vmem_shared>>
      %dma_wait3A_44 = arith.constant 0 : i32
      %dma_wait3A_45 = tpu.memref_slice %arg13[%add3A_15, %dma_wait3A_44] : memref<10240x80xf32, #tpu.memory_space<vmem_shared>> -> memref<128x80xf32, #tpu.memory_space<vmem_shared>>
      tpu.wait_dma2 semaphore(%run_scoped3A : memref<!tpu.dma_semaphore, #tpu.memory_space<semaphore_mem>>) src(%arg12 : memref<128x80xf32, #tpu.memory_space<vmem>>) dst(%dma_wait3A_45 : memref<128x80xf32, #tpu.memory_space<vmem_shared>>)
      tpu.yield
    }) : () -> ()
    %mul3A_16 = arith.constant 640 : i32
    %mul3A_17 = arith.muli %arg1, %mul3A_16 : i32
    %add3A_18 = arith.constant 256 : i32
    %add3A_19 = arith.addi %mul3A_17, %add3A_18 : i32
    "tpu.region"() ({
      %run_scoped3A = tpu.sem_alloc : memref<!tpu.dma_semaphore, #tpu.memory_space<semaphore_mem>>
      %dma_start3A = arith.constant 0 : i32
      %dma_start3A_40 = tpu.memref_slice %arg13[%add3A_19, %dma_start3A] : memref<10240x80xf32, #tpu.memory_space<vmem_shared>> -> memref<128x80xf32, #tpu.memory_space<vmem_shared>>
      %dma_start3A_41 = arith.constant 0 : i32
      %dma_start3A_42 = tpu.memref_slice %arg13[%add3A_19, %dma_start3A_41] : memref<10240x80xf32, #tpu.memory_space<vmem_shared>> -> memref<128x80xf32, #tpu.memory_space<vmem_shared>>
      tpu.enqueue_dma source(%arg12 : memref<128x80xf32, #tpu.memory_space<vmem>>) target(%dma_start3A_42 : memref<128x80xf32, #tpu.memory_space<vmem_shared>>) target_semaphore(%run_scoped3A : memref<!tpu.dma_semaphore, #tpu.memory_space<semaphore_mem>>)
      %dma_wait3A = arith.constant 0 : i32
      %dma_wait3A_43 = tpu.memref_slice %arg13[%add3A_19, %dma_wait3A] : memref<10240x80xf32, #tpu.memory_space<vmem_shared>> -> memref<128x80xf32, #tpu.memory_space<vmem_shared>>
      %dma_wait3A_44 = arith.constant 0 : i32
      %dma_wait3A_45 = tpu.memref_slice %arg13[%add3A_19, %dma_wait3A_44] : memref<10240x80xf32, #tpu.memory_space<vmem_shared>> -> memref<128x80xf32, #tpu.memory_space<vmem_shared>>
      tpu.wait_dma2 semaphore(%run_scoped3A : memref<!tpu.dma_semaphore, #tpu.memory_space<semaphore_mem>>) src(%arg12 : memref<128x80xf32, #tpu.memory_space<vmem>>) dst(%dma_wait3A_45 : memref<128x80xf32, #tpu.memory_space<vmem_shared>>)
      tpu.yield
    }) : () -> ()
    %mul3A_20 = arith.constant 640 : i32
    %mul3A_21 = arith.muli %arg1, %mul3A_20 : i32
    %add3A_22 = arith.constant 384 : i32
    %add3A_23 = arith.addi %mul3A_21, %add3A_22 : i32
    "tpu.region"() ({
      %run_scoped3A = tpu.sem_alloc : memref<!tpu.dma_semaphore, #tpu.memory_space<semaphore_mem>>
      %dma_start3A = arith.constant 0 : i32
      %dma_start3A_40 = tpu.memref_slice %arg13[%add3A_23, %dma_start3A] : memref<10240x80xf32, #tpu.memory_space<vmem_shared>> -> memref<128x80xf32, #tpu.memory_space<vmem_shared>>
      %dma_start3A_41 = arith.constant 0 : i32
      %dma_start3A_42 = tpu.memref_slice %arg13[%add3A_23, %dma_start3A_41] : memref<10240x80xf32, #tpu.memory_space<vmem_shared>> -> memref<128x80xf32, #tpu.memory_space<vmem_shared>>
      tpu.enqueue_dma source(%arg12 : memref<128x80xf32, #tpu.memory_space<vmem>>) target(%dma_start3A_42 : memref<128x80xf32, #tpu.memory_space<vmem_shared>>) target_semaphore(%run_scoped3A : memref<!tpu.dma_semaphore, #tpu.memory_space<semaphore_mem>>)
      %dma_wait3A = arith.constant 0 : i32
      %dma_wait3A_43 = tpu.memref_slice %arg13[%add3A_23, %dma_wait3A] : memref<10240x80xf32, #tpu.memory_space<vmem_shared>> -> memref<128x80xf32, #tpu.memory_space<vmem_shared>>
      %dma_wait3A_44 = arith.constant 0 : i32
      %dma_wait3A_45 = tpu.memref_slice %arg13[%add3A_23, %dma_wait3A_44] : memref<10240x80xf32, #tpu.memory_space<vmem_shared>> -> memref<128x80xf32, #tpu.memory_space<vmem_shared>>
      tpu.wait_dma2 semaphore(%run_scoped3A : memref<!tpu.dma_semaphore, #tpu.memory_space<semaphore_mem>>) src(%arg12 : memref<128x80xf32, #tpu.memory_space<vmem>>) dst(%dma_wait3A_45 : memref<128x80xf32, #tpu.memory_space<vmem_shared>>)
      tpu.yield
    }) : () -> ()
    %mul3A_24 = arith.constant 640 : i32
    %mul3A_25 = arith.muli %arg1, %mul3A_24 : i32
    %add3A_26 = arith.constant 512 : i32
    %add3A_27 = arith.addi %mul3A_25, %add3A_26 : i32
    "tpu.region"() ({
      %run_scoped3A = tpu.sem_alloc : memref<!tpu.dma_semaphore, #tpu.memory_space<semaphore_mem>>
      %dma_start3A = arith.constant 0 : i32
      %dma_start3A_40 = tpu.memref_slice %arg13[%add3A_27, %dma_start3A] : memref<10240x80xf32, #tpu.memory_space<vmem_shared>> -> memref<128x80xf32, #tpu.memory_space<vmem_shared>>
      %dma_start3A_41 = arith.constant 0 : i32
      %dma_start3A_42 = tpu.memref_slice %arg13[%add3A_27, %dma_start3A_41] : memref<10240x80xf32, #tpu.memory_space<vmem_shared>> -> memref<128x80xf32, #tpu.memory_space<vmem_shared>>
      tpu.enqueue_dma source(%arg12 : memref<128x80xf32, #tpu.memory_space<vmem>>) target(%dma_start3A_42 : memref<128x80xf32, #tpu.memory_space<vmem_shared>>) target_semaphore(%run_scoped3A : memref<!tpu.dma_semaphore, #tpu.memory_space<semaphore_mem>>)
      %dma_wait3A = arith.constant 0 : i32
      %dma_wait3A_43 = tpu.memref_slice %arg13[%add3A_27, %dma_wait3A] : memref<10240x80xf32, #tpu.memory_space<vmem_shared>> -> memref<128x80xf32, #tpu.memory_space<vmem_shared>>
      %dma_wait3A_44 = arith.constant 0 : i32
      %dma_wait3A_45 = tpu.memref_slice %arg13[%add3A_27, %dma_wait3A_44] : memref<10240x80xf32, #tpu.memory_space<vmem_shared>> -> memref<128x80xf32, #tpu.memory_space<vmem_shared>>
      tpu.wait_dma2 semaphore(%run_scoped3A : memref<!tpu.dma_semaphore, #tpu.memory_space<semaphore_mem>>) src(%arg12 : memref<128x80xf32, #tpu.memory_space<vmem>>) dst(%dma_wait3A_45 : memref<128x80xf32, #tpu.memory_space<vmem_shared>>)
      tpu.yield
    }) : () -> ()
    %barrier3A = arith.constant 0 : index
    tpu.barrier barrier_id(%barrier3A)
    %scan3A_28 = arith.constant 0 : i32
    %scan3A_29 = arith.constant 0 : i32
    %scan3A_30 = arith.constant 80 : i32
    %scan3A_31 = arith.addi %scan3A_29, %scan3A_30 : i32
    %scan3A_32 = arith.constant 1 : i32
    %scan3A_33 = scf.for %scan3A_40 = %scan3A_29 to %scan3A_31 step %scan3A_32 iter_args(%scan3A_41 = %scan3A_28) -> (i32)  : i32 {
      %mul3A_42 = arith.constant 80 : i32
      %mul3A_43 = arith.muli %add3A, %mul3A_42 : i32
      %add3A_44 = arith.addi %mul3A_43, %scan3A_40 : i32
      %mul3A_45 = arith.constant 128 : i32
      %mul3A_46 = arith.muli %add3A_44, %mul3A_45 : i32
      "tpu.region"() ({
        %run_scoped3A = tpu.sem_alloc : memref<!tpu.dma_semaphore, #tpu.memory_space<semaphore_mem>>
        %dma_start3A_65 = tpu.memref_slice %arg4[%mul3A_46] : memref<327680xi32, #tpu.memory_space<hbm>> -> memref<128xi32, #tpu.memory_space<hbm>>
        %dma_start3A_66 = tpu.memref_slice %arg4[%mul3A_46] : memref<327680xi32, #tpu.memory_space<hbm>> -> memref<128xi32, #tpu.memory_space<hbm>>
        tpu.enqueue_dma source(%dma_start3A_66 : memref<128xi32, #tpu.memory_space<hbm>>) target(%arg7 : memref<128xi32, #tpu.memory_space<vmem>>) target_semaphore(%run_scoped3A : memref<!tpu.dma_semaphore, #tpu.memory_space<semaphore_mem>>)
        %dma_wait3A_67 = tpu.memref_slice %arg4[%mul3A_46] : memref<327680xi32, #tpu.memory_space<hbm>> -> memref<128xi32, #tpu.memory_space<hbm>>
        %dma_wait3A_68 = tpu.memref_slice %arg4[%mul3A_46] : memref<327680xi32, #tpu.memory_space<hbm>> -> memref<128xi32, #tpu.memory_space<hbm>>
        tpu.wait_dma2 semaphore(%run_scoped3A : memref<!tpu.dma_semaphore, #tpu.memory_space<semaphore_mem>>) src(%dma_wait3A_68 : memref<128xi32, #tpu.memory_space<hbm>>) dst(%arg7 : memref<128xi32, #tpu.memory_space<vmem>>)
        tpu.yield
      }) : () -> ()
      "tpu.region"() ({
        %run_scoped3A = tpu.sem_alloc : memref<!tpu.dma_semaphore, #tpu.memory_space<semaphore_mem>>
        %dma_start3A_65 = tpu.memref_slice %arg5[%mul3A_46] : memref<327680xi32, #tpu.memory_space<hbm>> -> memref<128xi32, #tpu.memory_space<hbm>>
        %dma_start3A_66 = tpu.memref_slice %arg5[%mul3A_46] : memref<327680xi32, #tpu.memory_space<hbm>> -> memref<128xi32, #tpu.memory_space<hbm>>
        tpu.enqueue_dma source(%dma_start3A_66 : memref<128xi32, #tpu.memory_space<hbm>>) target(%arg8 : memref<128xi32, #tpu.memory_space<vmem>>) target_semaphore(%run_scoped3A : memref<!tpu.dma_semaphore, #tpu.memory_space<semaphore_mem>>)
        %dma_wait3A_67 = tpu.memref_slice %arg5[%mul3A_46] : memref<327680xi32, #tpu.memory_space<hbm>> -> memref<128xi32, #tpu.memory_space<hbm>>
        %dma_wait3A_68 = tpu.memref_slice %arg5[%mul3A_46] : memref<327680xi32, #tpu.memory_space<hbm>> -> memref<128xi32, #tpu.memory_space<hbm>>
        tpu.wait_dma2 semaphore(%run_scoped3A : memref<!tpu.dma_semaphore, #tpu.memory_space<semaphore_mem>>) src(%dma_wait3A_68 : memref<128xi32, #tpu.memory_space<hbm>>) dst(%arg8 : memref<128xi32, #tpu.memory_space<vmem>>)
        tpu.yield
      }) : () -> ()
      %dma_start3A = arith.constant 0 : i32
      %dma_start3A_47 = arith.constant 0 : i32
      %dma_start3A_48 = tpu.memref_slice %arg2[%dma_start3A, %dma_start3A_47] : memref<10240x80xf32, #tpu.memory_space<hbm>> -> memref<10240x80xf32, #tpu.memory_space<hbm>>
      tpu.enqueue_indirect_dma source(%dma_start3A_48 : memref<10240x80xf32, #tpu.memory_space<hbm>>) target(%arg9 : memref<128x80xf32, #tpu.memory_space<vmem>>) offsets(%arg7 : memref<128xi32, #tpu.memory_space<vmem>>) semaphore(%arg14 : memref<!tpu.dma_semaphore, #tpu.memory_space<semaphore_mem>>)
      %dma_start3A_49 = arith.constant 0 : i32
      %dma_start3A_50 = arith.constant 0 : i32
      %dma_start3A_51 = tpu.memref_slice %arg3[%dma_start3A_49, %dma_start3A_50] : memref<10240x16xf32, #tpu.memory_space<hbm>> -> memref<10240x16xf32, #tpu.memory_space<hbm>>
      tpu.enqueue_indirect_dma source(%dma_start3A_51 : memref<10240x16xf32, #tpu.memory_space<hbm>>) target(%arg10 : memref<128x16xf32, #tpu.memory_space<vmem>>) offsets(%arg8 : memref<128xi32, #tpu.memory_space<vmem>>) semaphore(%arg15 : memref<!tpu.dma_semaphore, #tpu.memory_space<semaphore_mem>>)
      %dma_wait3A = arith.constant 0 : i32
      %dma_wait3A_52 = arith.constant 0 : i32
      %dma_wait3A_53 = tpu.memref_slice %arg2[%dma_wait3A, %dma_wait3A_52] : memref<10240x80xf32, #tpu.memory_space<hbm>> -> memref<10240x80xf32, #tpu.memory_space<hbm>>
      tpu.wait_indirect_dma semaphore(%arg14 : memref<!tpu.dma_semaphore, #tpu.memory_space<semaphore_mem>>) src(%dma_wait3A_53 : memref<10240x80xf32, #tpu.memory_space<hbm>>) dst(%arg9 : memref<128x80xf32, #tpu.memory_space<vmem>>)
      %dma_wait3A_54 = arith.constant 0 : i32
      %dma_wait3A_55 = arith.constant 0 : i32
      %dma_wait3A_56 = tpu.memref_slice %arg3[%dma_wait3A_54, %dma_wait3A_55] : memref<10240x16xf32, #tpu.memory_space<hbm>> -> memref<10240x16xf32, #tpu.memory_space<hbm>>
      tpu.wait_indirect_dma semaphore(%arg15 : memref<!tpu.dma_semaphore, #tpu.memory_space<semaphore_mem>>) src(%dma_wait3A_56 : memref<10240x16xf32, #tpu.memory_space<hbm>>) dst(%arg10 : memref<128x16xf32, #tpu.memory_space<vmem>>)
      %scan3A_57 = arith.constant 0 : i32
      %scan3A_58 = arith.constant 0 : i32
      %scan3A_59 = arith.constant 128 : i32
      %scan3A_60 = arith.addi %scan3A_58, %scan3A_59 : i32
      %scan3A_61 = arith.constant 1 : i32
      %scan3A_62 = scf.for %scan3A_65 = %scan3A_58 to %scan3A_60 step %scan3A_61 iter_args(%scan3A_66 = %scan3A_57) -> (i32)  : i32 {
        %get3A = arith.index_cast %scan3A_65 : i32 to index
        %get3A_67 = arith.constant 64 : index
        %get3A_68 = tpu.vector_load %arg9[%get3A, %get3A_67] {strides = array<i32>} : memref<128x80xf32, #tpu.memory_space<vmem>>, vector<16xf32>,
        %get3A_69 = arith.index_cast %scan3A_65 : i32 to index
        %get3A_70 = arith.constant 0 : index
        %get3A_71 = tpu.vector_load %arg10[%get3A_69, %get3A_70] {strides = array<i32>} : memref<128x16xf32, #tpu.memory_space<vmem>>, vector<16xf32>,
        %add3A_72 = arith.addf %get3A_68, %get3A_71 : vector<16xf32>
        %ge3A = arith.constant 0.000000e+00 : f32
        %ge3A_73 = vector.broadcast %ge3A : f32 to vector<16xf32>
        %ge3A_74 = arith.cmpf oge, %add3A_72, %ge3A_73 : vector<16xf32>
        %mul3A_75 = arith.constant 2.800000e-01 : f32
        %mul3A_76 = vector.broadcast %mul3A_75 : f32 to vector<16xf32>
        %mul3A_77 = arith.mulf %mul3A_76, %add3A_72 : vector<16xf32>
        %select_n3A = arith.select %ge3A_74, %add3A_72, %mul3A_77 : vector<16xi1>, vector<16xf32>
        %exp3A = math.exp %select_n3A : vector<16xf32>
        %swap3A = arith.index_cast %scan3A_65 : i32 to index
        %swap3A_78 = arith.constant 64 : index
        %swap3A_79 = tpu.vector_load %arg11[%swap3A, %swap3A_78] {strides = array<i32>} : memref<128x80xf32, #tpu.memory_space<vmem>>, vector<16xf32>,
        tpu.vector_store %arg11[%swap3A, %swap3A_78], %exp3A {strides = array<i32>} : memref<128x80xf32, #tpu.memory_space<vmem>>, vector<16xf32>,
        %iota3A = tpu.iota {dimensions = array<i32: 0>} : vector<16xi32>
        %broadcast_in_dim3A_80 = vector.broadcast %scan3A_65 : i32 to vector<16xi32>
        %ge3A_81 = arith.constant 8 : i32
        %ge3A_82 = vector.broadcast %ge3A_81 : i32 to vector<16xi32>
        %ge3A_83 = arith.cmpi sge, %iota3A, %ge3A_82 : vector<16xi32>
        %convert_element_type3A = arith.extui %ge3A_83 : vector<16xi1> to vector<16xi32>
        %add3A_84 = arith.constant 0 : i32
        %add3A_85 = vector.broadcast %add3A_84 : i32 to vector<16xi32>
        %add3A_86 = arith.addi %add3A_85, %convert_element_type3A : vector<16xi32>
        %add3A_87 = arith.constant 64 : i32
        %add3A_88 = vector.broadcast %add3A_87 : i32 to vector<16xi32>
        %add3A_89 = arith.addi %add3A_88, %add3A_86 : vector<16xi32>
        %gather3A = tpu.vector_load_idx %arg11[%broadcast_in_dim3A_80, %add3A_89] : memref<128x80xf32, #tpu.memory_space<vmem>>[vector<16xi32>, vector<16xi32>], vector<16xf32>,
        %get3A_90 = arith.index_cast %scan3A_65 : i32 to index
        %get3A_91 = arith.constant 0 : index
        %get3A_92 = tpu.vector_load %arg9[%get3A_90, %get3A_91] {strides = array<i32>} : memref<128x80xf32, #tpu.memory_space<vmem>>, vector<16xf32>,
        %mul3A_93 = arith.mulf %get3A_92, %gather3A : vector<16xf32>
        %swap3A_94 = arith.index_cast %scan3A_65 : i32 to index
        %swap3A_95 = arith.constant 0 : index
        %swap3A_96 = tpu.vector_load %arg11[%swap3A_94, %swap3A_95] {strides = array<i32>} : memref<128x80xf32, #tpu.memory_space<vmem>>, vector<16xf32>,
        tpu.vector_store %arg11[%swap3A_94, %swap3A_95], %mul3A_93 {strides = array<i32>} : memref<128x80xf32, #tpu.memory_space<vmem>>, vector<16xf32>,
        %ge3A_97 = arith.constant 8 : i32
        %ge3A_98 = vector.broadcast %ge3A_97 : i32 to vector<16xi32>
        %ge3A_99 = arith.cmpi sge, %iota3A, %ge3A_98 : vector<16xi32>
        %convert_element_type3A_100 = arith.extui %ge3A_99 : vector<16xi1> to vector<16xi32>
        %add3A_101 = arith.constant 2 : i32
        %add3A_102 = vector.broadcast %add3A_101 : i32 to vector<16xi32>
        %add3A_103 = arith.addi %add3A_102, %convert_element_type3A_100 : vector<16xi32>
        %add3A_104 = arith.constant 64 : i32
        %add3A_105 = vector.broadcast %add3A_104 : i32 to vector<16xi32>
        %add3A_106 = arith.addi %add3A_105, %add3A_103 : vector<16xi32>
        %gather3A_107 = tpu.vector_load_idx %arg11[%broadcast_in_dim3A_80, %add3A_106] : memref<128x80xf32, #tpu.memory_space<vmem>>[vector<16xi32>, vector<16xi32>], vector<16xf32>,
        %get3A_108 = arith.index_cast %scan3A_65 : i32 to index
        %get3A_109 = arith.constant 16 : index
        %get3A_110 = tpu.vector_load %arg9[%get3A_108, %get3A_109] {strides = array<i32>} : memref<128x80xf32, #tpu.memory_space<vmem>>, vector<16xf32>,
        %mul3A_111 = arith.mulf %get3A_110, %gather3A_107 : vector<16xf32>
        %swap3A_112 = arith.index_cast %scan3A_65 : i32 to index
        %swap3A_113 = arith.constant 16 : index
        %swap3A_114 = tpu.vector_load %arg11[%swap3A_112, %swap3A_113] {strides = array<i32>} : memref<128x80xf32, #tpu.memory_space<vmem>>, vector<16xf32>,
        tpu.vector_store %arg11[%swap3A_112, %swap3A_113], %mul3A_111 {strides = array<i32>} : memref<128x80xf32, #tpu.memory_space<vmem>>, vector<16xf32>,
        %ge3A_115 = arith.constant 8 : i32
        %ge3A_116 = vector.broadcast %ge3A_115 : i32 to vector<16xi32>
        %ge3A_117 = arith.cmpi sge, %iota3A, %ge3A_116 : vector<16xi32>
        %convert_element_type3A_118 = arith.extui %ge3A_117 : vector<16xi1> to vector<16xi32>
        %add3A_119 = arith.constant 4 : i32
        %add3A_120 = vector.broadcast %add3A_119 : i32 to vector<16xi32>
        %add3A_121 = arith.addi %add3A_120, %convert_element_type3A_118 : vector<16xi32>
        %add3A_122 = arith.constant 64 : i32
        %add3A_123 = vector.broadcast %add3A_122 : i32 to vector<16xi32>
        %add3A_124 = arith.addi %add3A_123, %add3A_121 : vector<16xi32>
        %gather3A_125 = tpu.vector_load_idx %arg11[%broadcast_in_dim3A_80, %add3A_124] : memref<128x80xf32, #tpu.memory_space<vmem>>[vector<16xi32>, vector<16xi32>], vector<16xf32>,
        %get3A_126 = arith.index_cast %scan3A_65 : i32 to index
        %get3A_127 = arith.constant 32 : index
        %get3A_128 = tpu.vector_load %arg9[%get3A_126, %get3A_127] {strides = array<i32>} : memref<128x80xf32, #tpu.memory_space<vmem>>, vector<16xf32>,
        %mul3A_129 = arith.mulf %get3A_128, %gather3A_125 : vector<16xf32>
        %swap3A_130 = arith.index_cast %scan3A_65 : i32 to index
        %swap3A_131 = arith.constant 32 : index
        %swap3A_132 = tpu.vector_load %arg11[%swap3A_130, %swap3A_131] {strides = array<i32>} : memref<128x80xf32, #tpu.memory_space<vmem>>, vector<16xf32>,
        tpu.vector_store %arg11[%swap3A_130, %swap3A_131], %mul3A_129 {strides = array<i32>} : memref<128x80xf32, #tpu.memory_space<vmem>>, vector<16xf32>,
        %ge3A_133 = arith.constant 8 : i32
        %ge3A_134 = vector.broadcast %ge3A_133 : i32 to vector<16xi32>
        %ge3A_135 = arith.cmpi sge, %iota3A, %ge3A_134 : vector<16xi32>
        %convert_element_type3A_136 = arith.extui %ge3A_135 : vector<16xi1> to vector<16xi32>
        %add3A_137 = arith.constant 6 : i32
        %add3A_138 = vector.broadcast %add3A_137 : i32 to vector<16xi32>
        %add3A_139 = arith.addi %add3A_138, %convert_element_type3A_136 : vector<16xi32>
        %add3A_140 = arith.constant 64 : i32
        %add3A_141 = vector.broadcast %add3A_140 : i32 to vector<16xi32>
        %add3A_142 = arith.addi %add3A_141, %add3A_139 : vector<16xi32>
        %gather3A_143 = tpu.vector_load_idx %arg11[%broadcast_in_dim3A_80, %add3A_142] : memref<128x80xf32, #tpu.memory_space<vmem>>[vector<16xi32>, vector<16xi32>], vector<16xf32>,
        %get3A_144 = arith.index_cast %scan3A_65 : i32 to index
        %get3A_145 = arith.constant 48 : index
        %get3A_146 = tpu.vector_load %arg9[%get3A_144, %get3A_145] {strides = array<i32>} : memref<128x80xf32, #tpu.memory_space<vmem>>, vector<16xf32>,
        %mul3A_147 = arith.mulf %get3A_146, %gather3A_143 : vector<16xf32>
        %swap3A_148 = arith.index_cast %scan3A_65 : i32 to index
        %swap3A_149 = arith.constant 48 : index
        %swap3A_150 = tpu.vector_load %arg11[%swap3A_148, %swap3A_149] {strides = array<i32>} : memref<128x80xf32, #tpu.memory_space<vmem>>, vector<16xf32>,
        tpu.vector_store %arg11[%swap3A_148, %swap3A_149], %mul3A_147 {strides = array<i32>} : memref<128x80xf32, #tpu.memory_space<vmem>>, vector<16xf32>,
        %scan3A_151 = arith.constant 0 : i32
        scf.yield %scan3A_151 : i32
      }
      %scan3A_63 = arith.constant 128 : i32
      "tpu.region"() ({
        %run_scoped3A = tpu.sem_alloc : memref<!tpu.dma_semaphore, #tpu.memory_space<semaphore_mem>>
        %dma_start3A_65 = arith.constant 0 : i32
        %dma_start3A_66 = arith.constant 0 : i32
        %dma_start3A_67 = tpu.memref_slice %arg13[%dma_start3A_65, %dma_start3A_66] : memref<10240x80xf32, #tpu.memory_space<vmem_shared>> -> memref<10240x80xf32, #tpu.memory_space<vmem_shared>>
        tpu.enqueue_indirect_dma source(%arg11 : memref<128x80xf32, #tpu.memory_space<vmem>>) target(%dma_start3A_67 : memref<10240x80xf32, #tpu.memory_space<vmem_shared>>) offsets(%arg8 : memref<128xi32, #tpu.memory_space<vmem>>) semaphore(%run_scoped3A : memref<!tpu.dma_semaphore, #tpu.memory_space<semaphore_mem>>) {add = true}
        %dma_wait3A_68 = arith.constant 0 : i32
        %dma_wait3A_69 = arith.constant 0 : i32
        %dma_wait3A_70 = tpu.memref_slice %arg13[%dma_wait3A_68, %dma_wait3A_69] : memref<10240x80xf32, #tpu.memory_space<vmem_shared>> -> memref<10240x80xf32, #tpu.memory_space<vmem_shared>>
        tpu.wait_indirect_dma semaphore(%run_scoped3A : memref<!tpu.dma_semaphore, #tpu.memory_space<semaphore_mem>>) src(%arg11 : memref<128x80xf32, #tpu.memory_space<vmem>>) dst(%dma_wait3A_70 : memref<10240x80xf32, #tpu.memory_space<vmem_shared>>)
        tpu.yield
      }) : () -> ()
      %scan3A_64 = arith.constant 0 : i32
      scf.yield %scan3A_64 : i32
    }
    %scan3A_34 = arith.constant 80 : i32
    %barrier3A_35 = arith.constant 0 : index
    tpu.barrier barrier_id(%barrier3A_35)
    %mul3A_36 = arith.constant 640 : i32
    %mul3A_37 = arith.muli %arg1, %mul3A_36 : i32
    %mul3A_38 = arith.constant 640 : i32
    %mul3A_39 = arith.muli %arg1, %mul3A_38 : i32
    "tpu.region"() ({
      %run_scoped3A = tpu.sem_alloc : memref<!tpu.dma_semaphore, #tpu.memory_space<semaphore_mem>>
      %dma_start3A = arith.constant 0 : i32
      %dma_start3A_40 = tpu.memref_slice %arg6[%arg0, %mul3A_39, %dma_start3A] : memref<2x10240x80xf32, #tpu.memory_space<hbm>> -> memref<1x640x80xf32, #tpu.memory_space<hbm>>
      %dma_start3A_41 = tpu.memref_squeeze %dma_start3A_40 : memref<1x640x80xf32, #tpu.memory_space<hbm>> -> memref<640x80xf32, #tpu.memory_space<hbm>>
      %dma_start3A_42 = arith.constant 0 : i32
      %dma_start3A_43 = tpu.memref_slice %arg13[%mul3A_37, %dma_start3A_42] : memref<10240x80xf32, #tpu.memory_space<vmem_shared>> -> memref<640x80xf32, #tpu.memory_space<vmem_shared>>
      tpu.enqueue_dma source(%dma_start3A_43 : memref<640x80xf32, #tpu.memory_space<vmem_shared>>) target(%dma_start3A_41 : memref<640x80xf32, #tpu.memory_space<hbm>>) target_semaphore(%run_scoped3A : memref<!tpu.dma_semaphore, #tpu.memory_space<semaphore_mem>>)
      %dma_wait3A = arith.constant 0 : i32
      %dma_wait3A_44 = tpu.memref_slice %arg6[%arg0, %mul3A_39, %dma_wait3A] : memref<2x10240x80xf32, #tpu.memory_space<hbm>> -> memref<1x640x80xf32, #tpu.memory_space<hbm>>
      %dma_wait3A_45 = tpu.memref_squeeze %dma_wait3A_44 : memref<1x640x80xf32, #tpu.memory_space<hbm>> -> memref<640x80xf32, #tpu.memory_space<hbm>>
      %dma_wait3A_46 = arith.constant 0 : i32
      %dma_wait3A_47 = tpu.memref_slice %arg13[%mul3A_37, %dma_wait3A_46] : memref<10240x80xf32, #tpu.memory_space<vmem_shared>> -> memref<640x80xf32, #tpu.memory_space<vmem_shared>>
      tpu.wait_dma2 semaphore(%run_scoped3A : memref<!tpu.dma_semaphore, #tpu.memory_space<semaphore_mem>>) src(%dma_wait3A_47 : memref<640x80xf32, #tpu.memory_space<vmem_shared>>) dst(%dma_wait3A_45 : memref<640x80xf32, #tpu.memory_space<hbm>>)
      tpu.yield
    }) : () -> ()
    return
  }
}

#map = affine_map<(d0, d1) -> (0, 0)>
#map1 = affine_map<(d0, d1) -> (0)>
#map2 = affine_map<(d0, d1) -> (0, 0, 0)>
module attributes {stable_mosaic.version = 14 : i64} {
  func.func @edge_pass(%arg0: i32, %arg1: i32, %arg2: memref<10240x48xf32, #tpu.memory_space<hbm>>, %arg3: memref<10240x16xf32, #tpu.memory_space<hbm>>, %arg4: memref<327680xi32, #tpu.memory_space<hbm>>, %arg5: memref<327680xi32, #tpu.memory_space<hbm>>, %arg6: memref<2x10240x48xf32, #tpu.memory_space<hbm>>, %arg7: memref<128xi32, #tpu.memory_space<vmem>>, %arg8: memref<128xi32, #tpu.memory_space<vmem>>, %arg9: memref<128x48xf32, #tpu.memory_space<vmem>>, %arg10: memref<128x16xf32, #tpu.memory_space<vmem>>, %arg11: memref<128x48xf32, #tpu.memory_space<vmem>>, %arg12: memref<128x48xf32, #tpu.memory_space<vmem>>, %arg13: memref<10240x48xf32, #tpu.memory_space<vmem_shared>>, %arg14: memref<!tpu.dma_semaphore, #tpu.memory_space<semaphore_mem>>, %arg15: memref<!tpu.dma_semaphore, #tpu.memory_space<semaphore_mem>>) attributes {dimension_semantics = [#tpu.dimension_semantics<core_parallel>, #tpu.dimension_semantics<subcore_parallel>], iteration_bounds = array<i64: 2, 16>, scalar_prefetch = 0 : i64, scratch_operands = 9 : i64, tpu.core_type = #tpu.core_type<sc_vector_subcore>, window_params = [{transform_indices = #map}, {transform_indices = #map}, {transform_indices = #map1}, {transform_indices = #map1}, {transform_indices = #map2}]} {
    %mul3A = arith.constant 16 : i32
    %mul3A_0 = arith.muli %arg0, %mul3A : i32
    %add3A = arith.addi %mul3A_0, %arg1 : i32
    %broadcast_in_dim3A = arith.constant 0.000000e+00 : f32
    %broadcast_in_dim3A_1 = vector.broadcast %broadcast_in_dim3A : f32 to vector<16xf32>
    %scan3A = arith.constant 0 : i32
    %scan3A_2 = arith.constant 0 : i32
    %scan3A_3 = arith.constant 384 : i32
    %scan3A_4 = arith.addi %scan3A_2, %scan3A_3 : i32
    %scan3A_5 = arith.constant 1 : i32
    %scan3A_6 = scf.for %scan3A_40 = %scan3A_2 to %scan3A_4 step %scan3A_5 iter_args(%scan3A_41 = %scan3A) -> (i32)  : i32 {
      %jit3A = arith.constant 3 : i32
      %div3A = arith.divsi %scan3A_40, %jit3A : i32
      %sign3A = arith.constant 0 : i32
      %sign3A_42 = arith.cmpi sgt, %scan3A_40, %sign3A : i32
      %sign3A_43 = arith.extui %sign3A_42 : i1 to i32
      %sign3A_44 = arith.constant 0 : i32
      %sign3A_45 = arith.cmpi slt, %scan3A_40, %sign3A_44 : i32
      %sign3A_46 = arith.extui %sign3A_45 : i1 to i32
      %sign3A_47 = arith.subi %sign3A_43, %sign3A_46 : i32
      %sign3A_48 = arith.constant 0 : i32
      %sign3A_49 = arith.cmpi sgt, %jit3A, %sign3A_48 : i32
      %sign3A_50 = arith.extui %sign3A_49 : i1 to i32
      %sign3A_51 = arith.constant 0 : i32
      %sign3A_52 = arith.cmpi slt, %jit3A, %sign3A_51 : i32
      %sign3A_53 = arith.extui %sign3A_52 : i1 to i32
      %sign3A_54 = arith.subi %sign3A_50, %sign3A_53 : i32
      %ne3A = arith.cmpi ne, %sign3A_47, %sign3A_54 : i32
      %rem3A = arith.remsi %scan3A_40, %jit3A : i32
      %ne3A_55 = arith.constant 0 : i32
      %ne3A_56 = arith.cmpi ne, %rem3A, %ne3A_55 : i32
      %and3A = arith.andi %ne3A, %ne3A_56 : i1
      %sub3A = arith.constant 1 : i32
      %sub3A_57 = arith.subi %div3A, %sub3A : i32
      %select_n3A = arith.select %and3A, %sub3A_57, %div3A : i32
      %jit3A_58 = arith.constant 3 : i32
      %eq3A = arith.constant 0 : i32
      %eq3A_59 = arith.cmpi eq, %jit3A_58, %eq3A : i32
      %jit3A_60 = arith.constant 1 : i32
      %select_n3A_61 = arith.select %eq3A_59, %jit3A_60, %jit3A_58 : i32
      %rem3A_62 = arith.remsi %scan3A_40, %select_n3A_61 : i32
      %ne3A_63 = arith.constant 0 : i32
      %ne3A_64 = arith.cmpi ne, %rem3A_62, %ne3A_63 : i32
      %lt3A = arith.constant 0 : i32
      %lt3A_65 = arith.cmpi slt, %rem3A_62, %lt3A : i32
      %lt3A_66 = arith.constant 0 : i32
      %lt3A_67 = arith.cmpi slt, %select_n3A_61, %lt3A_66 : i32
      %ne3A_68 = arith.xori %lt3A_65, %lt3A_67 : i1
      %and3A_69 = arith.andi %ne3A_68, %ne3A_64 : i1
      %add3A_70 = arith.addi %rem3A_62, %select_n3A_61 : i32
      %select_n3A_71 = arith.select %and3A_69, %add3A_70, %rem3A_62 : i32
      %mul3A_72 = arith.constant 16 : i32
      %mul3A_73 = arith.muli %mul3A_72, %select_n3A_71 : i32
      %swap3A = arith.index_cast %select_n3A : i32 to index
      %swap3A_74 = arith.index_cast %mul3A_73 : i32 to index
      %swap3A_75 = tpu.vector_load %arg12[%swap3A, %swap3A_74] {strides = array<i32>} : memref<128x48xf32, #tpu.memory_space<vmem>>, vector<16xf32>,
      tpu.vector_store %arg12[%swap3A, %swap3A_74], %broadcast_in_dim3A_1 {strides = array<i32>} : memref<128x48xf32, #tpu.memory_space<vmem>>, vector<16xf32>,
      %scan3A_76 = arith.constant 0 : i32
      scf.yield %scan3A_76 : i32
    }
    %scan3A_7 = arith.constant 384 : i32
    %mul3A_8 = arith.constant 640 : i32
    %mul3A_9 = arith.muli %arg1, %mul3A_8 : i32
    %add3A_10 = arith.constant 0 : i32
    %add3A_11 = arith.addi %mul3A_9, %add3A_10 : i32
    "tpu.region"() ({
      %run_scoped3A = tpu.sem_alloc : memref<!tpu.dma_semaphore, #tpu.memory_space<semaphore_mem>>
      %dma_start3A = arith.constant 0 : i32
      %dma_start3A_40 = tpu.memref_slice %arg13[%add3A_11, %dma_start3A] : memref<10240x48xf32, #tpu.memory_space<vmem_shared>> -> memref<128x48xf32, #tpu.memory_space<vmem_shared>>
      %dma_start3A_41 = arith.constant 0 : i32
      %dma_start3A_42 = tpu.memref_slice %arg13[%add3A_11, %dma_start3A_41] : memref<10240x48xf32, #tpu.memory_space<vmem_shared>> -> memref<128x48xf32, #tpu.memory_space<vmem_shared>>
      tpu.enqueue_dma source(%arg12 : memref<128x48xf32, #tpu.memory_space<vmem>>) target(%dma_start3A_42 : memref<128x48xf32, #tpu.memory_space<vmem_shared>>) target_semaphore(%run_scoped3A : memref<!tpu.dma_semaphore, #tpu.memory_space<semaphore_mem>>)
      %dma_wait3A = arith.constant 0 : i32
      %dma_wait3A_43 = tpu.memref_slice %arg13[%add3A_11, %dma_wait3A] : memref<10240x48xf32, #tpu.memory_space<vmem_shared>> -> memref<128x48xf32, #tpu.memory_space<vmem_shared>>
      %dma_wait3A_44 = arith.constant 0 : i32
      %dma_wait3A_45 = tpu.memref_slice %arg13[%add3A_11, %dma_wait3A_44] : memref<10240x48xf32, #tpu.memory_space<vmem_shared>> -> memref<128x48xf32, #tpu.memory_space<vmem_shared>>
      tpu.wait_dma2 semaphore(%run_scoped3A : memref<!tpu.dma_semaphore, #tpu.memory_space<semaphore_mem>>) src(%arg12 : memref<128x48xf32, #tpu.memory_space<vmem>>) dst(%dma_wait3A_45 : memref<128x48xf32, #tpu.memory_space<vmem_shared>>)
      tpu.yield
    }) : () -> ()
    %mul3A_12 = arith.constant 640 : i32
    %mul3A_13 = arith.muli %arg1, %mul3A_12 : i32
    %add3A_14 = arith.constant 128 : i32
    %add3A_15 = arith.addi %mul3A_13, %add3A_14 : i32
    "tpu.region"() ({
      %run_scoped3A = tpu.sem_alloc : memref<!tpu.dma_semaphore, #tpu.memory_space<semaphore_mem>>
      %dma_start3A = arith.constant 0 : i32
      %dma_start3A_40 = tpu.memref_slice %arg13[%add3A_15, %dma_start3A] : memref<10240x48xf32, #tpu.memory_space<vmem_shared>> -> memref<128x48xf32, #tpu.memory_space<vmem_shared>>
      %dma_start3A_41 = arith.constant 0 : i32
      %dma_start3A_42 = tpu.memref_slice %arg13[%add3A_15, %dma_start3A_41] : memref<10240x48xf32, #tpu.memory_space<vmem_shared>> -> memref<128x48xf32, #tpu.memory_space<vmem_shared>>
      tpu.enqueue_dma source(%arg12 : memref<128x48xf32, #tpu.memory_space<vmem>>) target(%dma_start3A_42 : memref<128x48xf32, #tpu.memory_space<vmem_shared>>) target_semaphore(%run_scoped3A : memref<!tpu.dma_semaphore, #tpu.memory_space<semaphore_mem>>)
      %dma_wait3A = arith.constant 0 : i32
      %dma_wait3A_43 = tpu.memref_slice %arg13[%add3A_15, %dma_wait3A] : memref<10240x48xf32, #tpu.memory_space<vmem_shared>> -> memref<128x48xf32, #tpu.memory_space<vmem_shared>>
      %dma_wait3A_44 = arith.constant 0 : i32
      %dma_wait3A_45 = tpu.memref_slice %arg13[%add3A_15, %dma_wait3A_44] : memref<10240x48xf32, #tpu.memory_space<vmem_shared>> -> memref<128x48xf32, #tpu.memory_space<vmem_shared>>
      tpu.wait_dma2 semaphore(%run_scoped3A : memref<!tpu.dma_semaphore, #tpu.memory_space<semaphore_mem>>) src(%arg12 : memref<128x48xf32, #tpu.memory_space<vmem>>) dst(%dma_wait3A_45 : memref<128x48xf32, #tpu.memory_space<vmem_shared>>)
      tpu.yield
    }) : () -> ()
    %mul3A_16 = arith.constant 640 : i32
    %mul3A_17 = arith.muli %arg1, %mul3A_16 : i32
    %add3A_18 = arith.constant 256 : i32
    %add3A_19 = arith.addi %mul3A_17, %add3A_18 : i32
    "tpu.region"() ({
      %run_scoped3A = tpu.sem_alloc : memref<!tpu.dma_semaphore, #tpu.memory_space<semaphore_mem>>
      %dma_start3A = arith.constant 0 : i32
      %dma_start3A_40 = tpu.memref_slice %arg13[%add3A_19, %dma_start3A] : memref<10240x48xf32, #tpu.memory_space<vmem_shared>> -> memref<128x48xf32, #tpu.memory_space<vmem_shared>>
      %dma_start3A_41 = arith.constant 0 : i32
      %dma_start3A_42 = tpu.memref_slice %arg13[%add3A_19, %dma_start3A_41] : memref<10240x48xf32, #tpu.memory_space<vmem_shared>> -> memref<128x48xf32, #tpu.memory_space<vmem_shared>>
      tpu.enqueue_dma source(%arg12 : memref<128x48xf32, #tpu.memory_space<vmem>>) target(%dma_start3A_42 : memref<128x48xf32, #tpu.memory_space<vmem_shared>>) target_semaphore(%run_scoped3A : memref<!tpu.dma_semaphore, #tpu.memory_space<semaphore_mem>>)
      %dma_wait3A = arith.constant 0 : i32
      %dma_wait3A_43 = tpu.memref_slice %arg13[%add3A_19, %dma_wait3A] : memref<10240x48xf32, #tpu.memory_space<vmem_shared>> -> memref<128x48xf32, #tpu.memory_space<vmem_shared>>
      %dma_wait3A_44 = arith.constant 0 : i32
      %dma_wait3A_45 = tpu.memref_slice %arg13[%add3A_19, %dma_wait3A_44] : memref<10240x48xf32, #tpu.memory_space<vmem_shared>> -> memref<128x48xf32, #tpu.memory_space<vmem_shared>>
      tpu.wait_dma2 semaphore(%run_scoped3A : memref<!tpu.dma_semaphore, #tpu.memory_space<semaphore_mem>>) src(%arg12 : memref<128x48xf32, #tpu.memory_space<vmem>>) dst(%dma_wait3A_45 : memref<128x48xf32, #tpu.memory_space<vmem_shared>>)
      tpu.yield
    }) : () -> ()
    %mul3A_20 = arith.constant 640 : i32
    %mul3A_21 = arith.muli %arg1, %mul3A_20 : i32
    %add3A_22 = arith.constant 384 : i32
    %add3A_23 = arith.addi %mul3A_21, %add3A_22 : i32
    "tpu.region"() ({
      %run_scoped3A = tpu.sem_alloc : memref<!tpu.dma_semaphore, #tpu.memory_space<semaphore_mem>>
      %dma_start3A = arith.constant 0 : i32
      %dma_start3A_40 = tpu.memref_slice %arg13[%add3A_23, %dma_start3A] : memref<10240x48xf32, #tpu.memory_space<vmem_shared>> -> memref<128x48xf32, #tpu.memory_space<vmem_shared>>
      %dma_start3A_41 = arith.constant 0 : i32
      %dma_start3A_42 = tpu.memref_slice %arg13[%add3A_23, %dma_start3A_41] : memref<10240x48xf32, #tpu.memory_space<vmem_shared>> -> memref<128x48xf32, #tpu.memory_space<vmem_shared>>
      tpu.enqueue_dma source(%arg12 : memref<128x48xf32, #tpu.memory_space<vmem>>) target(%dma_start3A_42 : memref<128x48xf32, #tpu.memory_space<vmem_shared>>) target_semaphore(%run_scoped3A : memref<!tpu.dma_semaphore, #tpu.memory_space<semaphore_mem>>)
      %dma_wait3A = arith.constant 0 : i32
      %dma_wait3A_43 = tpu.memref_slice %arg13[%add3A_23, %dma_wait3A] : memref<10240x48xf32, #tpu.memory_space<vmem_shared>> -> memref<128x48xf32, #tpu.memory_space<vmem_shared>>
      %dma_wait3A_44 = arith.constant 0 : i32
      %dma_wait3A_45 = tpu.memref_slice %arg13[%add3A_23, %dma_wait3A_44] : memref<10240x48xf32, #tpu.memory_space<vmem_shared>> -> memref<128x48xf32, #tpu.memory_space<vmem_shared>>
      tpu.wait_dma2 semaphore(%run_scoped3A : memref<!tpu.dma_semaphore, #tpu.memory_space<semaphore_mem>>) src(%arg12 : memref<128x48xf32, #tpu.memory_space<vmem>>) dst(%dma_wait3A_45 : memref<128x48xf32, #tpu.memory_space<vmem_shared>>)
      tpu.yield
    }) : () -> ()
    %mul3A_24 = arith.constant 640 : i32
    %mul3A_25 = arith.muli %arg1, %mul3A_24 : i32
    %add3A_26 = arith.constant 512 : i32
    %add3A_27 = arith.addi %mul3A_25, %add3A_26 : i32
    "tpu.region"() ({
      %run_scoped3A = tpu.sem_alloc : memref<!tpu.dma_semaphore, #tpu.memory_space<semaphore_mem>>
      %dma_start3A = arith.constant 0 : i32
      %dma_start3A_40 = tpu.memref_slice %arg13[%add3A_27, %dma_start3A] : memref<10240x48xf32, #tpu.memory_space<vmem_shared>> -> memref<128x48xf32, #tpu.memory_space<vmem_shared>>
      %dma_start3A_41 = arith.constant 0 : i32
      %dma_start3A_42 = tpu.memref_slice %arg13[%add3A_27, %dma_start3A_41] : memref<10240x48xf32, #tpu.memory_space<vmem_shared>> -> memref<128x48xf32, #tpu.memory_space<vmem_shared>>
      tpu.enqueue_dma source(%arg12 : memref<128x48xf32, #tpu.memory_space<vmem>>) target(%dma_start3A_42 : memref<128x48xf32, #tpu.memory_space<vmem_shared>>) target_semaphore(%run_scoped3A : memref<!tpu.dma_semaphore, #tpu.memory_space<semaphore_mem>>)
      %dma_wait3A = arith.constant 0 : i32
      %dma_wait3A_43 = tpu.memref_slice %arg13[%add3A_27, %dma_wait3A] : memref<10240x48xf32, #tpu.memory_space<vmem_shared>> -> memref<128x48xf32, #tpu.memory_space<vmem_shared>>
      %dma_wait3A_44 = arith.constant 0 : i32
      %dma_wait3A_45 = tpu.memref_slice %arg13[%add3A_27, %dma_wait3A_44] : memref<10240x48xf32, #tpu.memory_space<vmem_shared>> -> memref<128x48xf32, #tpu.memory_space<vmem_shared>>
      tpu.wait_dma2 semaphore(%run_scoped3A : memref<!tpu.dma_semaphore, #tpu.memory_space<semaphore_mem>>) src(%arg12 : memref<128x48xf32, #tpu.memory_space<vmem>>) dst(%dma_wait3A_45 : memref<128x48xf32, #tpu.memory_space<vmem_shared>>)
      tpu.yield
    }) : () -> ()
    %barrier3A = arith.constant 0 : index
    tpu.barrier barrier_id(%barrier3A)
    %scan3A_28 = arith.constant 0 : i32
    %scan3A_29 = arith.constant 0 : i32
    %scan3A_30 = arith.constant 80 : i32
    %scan3A_31 = arith.addi %scan3A_29, %scan3A_30 : i32
    %scan3A_32 = arith.constant 1 : i32
    %scan3A_33 = scf.for %scan3A_40 = %scan3A_29 to %scan3A_31 step %scan3A_32 iter_args(%scan3A_41 = %scan3A_28) -> (i32)  : i32 {
      %mul3A_42 = arith.constant 80 : i32
      %mul3A_43 = arith.muli %add3A, %mul3A_42 : i32
      %add3A_44 = arith.addi %mul3A_43, %scan3A_40 : i32
      %mul3A_45 = arith.constant 128 : i32
      %mul3A_46 = arith.muli %add3A_44, %mul3A_45 : i32
      "tpu.region"() ({
        %run_scoped3A = tpu.sem_alloc : memref<!tpu.dma_semaphore, #tpu.memory_space<semaphore_mem>>
        %dma_start3A_65 = tpu.memref_slice %arg4[%mul3A_46] : memref<327680xi32, #tpu.memory_space<hbm>> -> memref<128xi32, #tpu.memory_space<hbm>>
        %dma_start3A_66 = tpu.memref_slice %arg4[%mul3A_46] : memref<327680xi32, #tpu.memory_space<hbm>> -> memref<128xi32, #tpu.memory_space<hbm>>
        tpu.enqueue_dma source(%dma_start3A_66 : memref<128xi32, #tpu.memory_space<hbm>>) target(%arg7 : memref<128xi32, #tpu.memory_space<vmem>>) target_semaphore(%run_scoped3A : memref<!tpu.dma_semaphore, #tpu.memory_space<semaphore_mem>>)
        %dma_wait3A_67 = tpu.memref_slice %arg4[%mul3A_46] : memref<327680xi32, #tpu.memory_space<hbm>> -> memref<128xi32, #tpu.memory_space<hbm>>
        %dma_wait3A_68 = tpu.memref_slice %arg4[%mul3A_46] : memref<327680xi32, #tpu.memory_space<hbm>> -> memref<128xi32, #tpu.memory_space<hbm>>
        tpu.wait_dma2 semaphore(%run_scoped3A : memref<!tpu.dma_semaphore, #tpu.memory_space<semaphore_mem>>) src(%dma_wait3A_68 : memref<128xi32, #tpu.memory_space<hbm>>) dst(%arg7 : memref<128xi32, #tpu.memory_space<vmem>>)
        tpu.yield
      }) : () -> ()
      "tpu.region"() ({
        %run_scoped3A = tpu.sem_alloc : memref<!tpu.dma_semaphore, #tpu.memory_space<semaphore_mem>>
        %dma_start3A_65 = tpu.memref_slice %arg5[%mul3A_46] : memref<327680xi32, #tpu.memory_space<hbm>> -> memref<128xi32, #tpu.memory_space<hbm>>
        %dma_start3A_66 = tpu.memref_slice %arg5[%mul3A_46] : memref<327680xi32, #tpu.memory_space<hbm>> -> memref<128xi32, #tpu.memory_space<hbm>>
        tpu.enqueue_dma source(%dma_start3A_66 : memref<128xi32, #tpu.memory_space<hbm>>) target(%arg8 : memref<128xi32, #tpu.memory_space<vmem>>) target_semaphore(%run_scoped3A : memref<!tpu.dma_semaphore, #tpu.memory_space<semaphore_mem>>)
        %dma_wait3A_67 = tpu.memref_slice %arg5[%mul3A_46] : memref<327680xi32, #tpu.memory_space<hbm>> -> memref<128xi32, #tpu.memory_space<hbm>>
        %dma_wait3A_68 = tpu.memref_slice %arg5[%mul3A_46] : memref<327680xi32, #tpu.memory_space<hbm>> -> memref<128xi32, #tpu.memory_space<hbm>>
        tpu.wait_dma2 semaphore(%run_scoped3A : memref<!tpu.dma_semaphore, #tpu.memory_space<semaphore_mem>>) src(%dma_wait3A_68 : memref<128xi32, #tpu.memory_space<hbm>>) dst(%arg8 : memref<128xi32, #tpu.memory_space<vmem>>)
        tpu.yield
      }) : () -> ()
      %dma_start3A = arith.constant 0 : i32
      %dma_start3A_47 = arith.constant 0 : i32
      %dma_start3A_48 = tpu.memref_slice %arg2[%dma_start3A, %dma_start3A_47] : memref<10240x48xf32, #tpu.memory_space<hbm>> -> memref<10240x48xf32, #tpu.memory_space<hbm>>
      tpu.enqueue_indirect_dma source(%dma_start3A_48 : memref<10240x48xf32, #tpu.memory_space<hbm>>) target(%arg9 : memref<128x48xf32, #tpu.memory_space<vmem>>) offsets(%arg7 : memref<128xi32, #tpu.memory_space<vmem>>) semaphore(%arg14 : memref<!tpu.dma_semaphore, #tpu.memory_space<semaphore_mem>>)
      %dma_start3A_49 = arith.constant 0 : i32
      %dma_start3A_50 = arith.constant 0 : i32
      %dma_start3A_51 = tpu.memref_slice %arg3[%dma_start3A_49, %dma_start3A_50] : memref<10240x16xf32, #tpu.memory_space<hbm>> -> memref<10240x16xf32, #tpu.memory_space<hbm>>
      tpu.enqueue_indirect_dma source(%dma_start3A_51 : memref<10240x16xf32, #tpu.memory_space<hbm>>) target(%arg10 : memref<128x16xf32, #tpu.memory_space<vmem>>) offsets(%arg8 : memref<128xi32, #tpu.memory_space<vmem>>) semaphore(%arg15 : memref<!tpu.dma_semaphore, #tpu.memory_space<semaphore_mem>>)
      %dma_wait3A = arith.constant 0 : i32
      %dma_wait3A_52 = arith.constant 0 : i32
      %dma_wait3A_53 = tpu.memref_slice %arg2[%dma_wait3A, %dma_wait3A_52] : memref<10240x48xf32, #tpu.memory_space<hbm>> -> memref<10240x48xf32, #tpu.memory_space<hbm>>
      tpu.wait_indirect_dma semaphore(%arg14 : memref<!tpu.dma_semaphore, #tpu.memory_space<semaphore_mem>>) src(%dma_wait3A_53 : memref<10240x48xf32, #tpu.memory_space<hbm>>) dst(%arg9 : memref<128x48xf32, #tpu.memory_space<vmem>>)
      %dma_wait3A_54 = arith.constant 0 : i32
      %dma_wait3A_55 = arith.constant 0 : i32
      %dma_wait3A_56 = tpu.memref_slice %arg3[%dma_wait3A_54, %dma_wait3A_55] : memref<10240x16xf32, #tpu.memory_space<hbm>> -> memref<10240x16xf32, #tpu.memory_space<hbm>>
      tpu.wait_indirect_dma semaphore(%arg15 : memref<!tpu.dma_semaphore, #tpu.memory_space<semaphore_mem>>) src(%dma_wait3A_56 : memref<10240x16xf32, #tpu.memory_space<hbm>>) dst(%arg10 : memref<128x16xf32, #tpu.memory_space<vmem>>)
      %scan3A_57 = arith.constant 0 : i32
      %scan3A_58 = arith.constant 0 : i32
      %scan3A_59 = arith.constant 128 : i32
      %scan3A_60 = arith.addi %scan3A_58, %scan3A_59 : i32
      %scan3A_61 = arith.constant 1 : i32
      %scan3A_62 = scf.for %scan3A_65 = %scan3A_58 to %scan3A_60 step %scan3A_61 iter_args(%scan3A_66 = %scan3A_57) -> (i32)  : i32 {
        %get3A = arith.index_cast %scan3A_65 : i32 to index
        %get3A_67 = arith.constant 32 : index
        %get3A_68 = tpu.vector_load %arg9[%get3A, %get3A_67] {strides = array<i32>} : memref<128x48xf32, #tpu.memory_space<vmem>>, vector<16xf32>,
        %get3A_69 = arith.index_cast %scan3A_65 : i32 to index
        %get3A_70 = arith.constant 0 : index
        %get3A_71 = tpu.vector_load %arg10[%get3A_69, %get3A_70] {strides = array<i32>} : memref<128x16xf32, #tpu.memory_space<vmem>>, vector<16xf32>,
        %add3A_72 = arith.addf %get3A_68, %get3A_71 : vector<16xf32>
        %ge3A = arith.constant 0.000000e+00 : f32
        %ge3A_73 = vector.broadcast %ge3A : f32 to vector<16xf32>
        %ge3A_74 = arith.cmpf oge, %add3A_72, %ge3A_73 : vector<16xf32>
        %mul3A_75 = arith.constant 2.800000e-01 : f32
        %mul3A_76 = vector.broadcast %mul3A_75 : f32 to vector<16xf32>
        %mul3A_77 = arith.mulf %mul3A_76, %add3A_72 : vector<16xf32>
        %select_n3A = arith.select %ge3A_74, %add3A_72, %mul3A_77 : vector<16xi1>, vector<16xf32>
        %exp3A = math.exp %select_n3A : vector<16xf32>
        %swap3A = arith.index_cast %scan3A_65 : i32 to index
        %swap3A_78 = arith.constant 32 : index
        %swap3A_79 = tpu.vector_load %arg11[%swap3A, %swap3A_78] {strides = array<i32>} : memref<128x48xf32, #tpu.memory_space<vmem>>, vector<16xf32>,
        tpu.vector_store %arg11[%swap3A, %swap3A_78], %exp3A {strides = array<i32>} : memref<128x48xf32, #tpu.memory_space<vmem>>, vector<16xf32>,
        %get3A_80 = arith.index_cast %scan3A_65 : i32 to index
        %get3A_81 = arith.constant 0 : index
        %get3A_82 = tpu.vector_load %arg9[%get3A_80, %get3A_81] {strides = array<i32>} : memref<128x48xf32, #tpu.memory_space<vmem>>, vector<16xf32>,
        %mul3A_83 = arith.mulf %get3A_82, %exp3A : vector<16xf32>
        %swap3A_84 = arith.index_cast %scan3A_65 : i32 to index
        %swap3A_85 = arith.constant 0 : index
        %swap3A_86 = tpu.vector_load %arg11[%swap3A_84, %swap3A_85] {strides = array<i32>} : memref<128x48xf32, #tpu.memory_space<vmem>>, vector<16xf32>,
        tpu.vector_store %arg11[%swap3A_84, %swap3A_85], %mul3A_83 {strides = array<i32>} : memref<128x48xf32, #tpu.memory_space<vmem>>, vector<16xf32>,
        %get3A_87 = arith.index_cast %scan3A_65 : i32 to index
        %get3A_88 = arith.constant 16 : index
        %get3A_89 = tpu.vector_load %arg9[%get3A_87, %get3A_88] {strides = array<i32>} : memref<128x48xf32, #tpu.memory_space<vmem>>, vector<16xf32>,
        %mul3A_90 = arith.mulf %get3A_89, %exp3A : vector<16xf32>
        %swap3A_91 = arith.index_cast %scan3A_65 : i32 to index
        %swap3A_92 = arith.constant 16 : index
        %swap3A_93 = tpu.vector_load %arg11[%swap3A_91, %swap3A_92] {strides = array<i32>} : memref<128x48xf32, #tpu.memory_space<vmem>>, vector<16xf32>,
        tpu.vector_store %arg11[%swap3A_91, %swap3A_92], %mul3A_90 {strides = array<i32>} : memref<128x48xf32, #tpu.memory_space<vmem>>, vector<16xf32>,
        %scan3A_94 = arith.constant 0 : i32
        scf.yield %scan3A_94 : i32
      }
      %scan3A_63 = arith.constant 128 : i32
      "tpu.region"() ({
        %run_scoped3A = tpu.sem_alloc : memref<!tpu.dma_semaphore, #tpu.memory_space<semaphore_mem>>
        %dma_start3A_65 = arith.constant 0 : i32
        %dma_start3A_66 = arith.constant 0 : i32
        %dma_start3A_67 = tpu.memref_slice %arg13[%dma_start3A_65, %dma_start3A_66] : memref<10240x48xf32, #tpu.memory_space<vmem_shared>> -> memref<10240x48xf32, #tpu.memory_space<vmem_shared>>
        tpu.enqueue_indirect_dma source(%arg11 : memref<128x48xf32, #tpu.memory_space<vmem>>) target(%dma_start3A_67 : memref<10240x48xf32, #tpu.memory_space<vmem_shared>>) offsets(%arg8 : memref<128xi32, #tpu.memory_space<vmem>>) semaphore(%run_scoped3A : memref<!tpu.dma_semaphore, #tpu.memory_space<semaphore_mem>>) {add = true}
        %dma_wait3A_68 = arith.constant 0 : i32
        %dma_wait3A_69 = arith.constant 0 : i32
        %dma_wait3A_70 = tpu.memref_slice %arg13[%dma_wait3A_68, %dma_wait3A_69] : memref<10240x48xf32, #tpu.memory_space<vmem_shared>> -> memref<10240x48xf32, #tpu.memory_space<vmem_shared>>
        tpu.wait_indirect_dma semaphore(%run_scoped3A : memref<!tpu.dma_semaphore, #tpu.memory_space<semaphore_mem>>) src(%arg11 : memref<128x48xf32, #tpu.memory_space<vmem>>) dst(%dma_wait3A_70 : memref<10240x48xf32, #tpu.memory_space<vmem_shared>>)
        tpu.yield
      }) : () -> ()
      %scan3A_64 = arith.constant 0 : i32
      scf.yield %scan3A_64 : i32
    }
    %scan3A_34 = arith.constant 80 : i32
    %barrier3A_35 = arith.constant 0 : index
    tpu.barrier barrier_id(%barrier3A_35)
    %mul3A_36 = arith.constant 640 : i32
    %mul3A_37 = arith.muli %arg1, %mul3A_36 : i32
    %mul3A_38 = arith.constant 640 : i32
    %mul3A_39 = arith.muli %arg1, %mul3A_38 : i32
    "tpu.region"() ({
      %run_scoped3A = tpu.sem_alloc : memref<!tpu.dma_semaphore, #tpu.memory_space<semaphore_mem>>
      %dma_start3A = arith.constant 0 : i32
      %dma_start3A_40 = tpu.memref_slice %arg6[%arg0, %mul3A_39, %dma_start3A] : memref<2x10240x48xf32, #tpu.memory_space<hbm>> -> memref<1x640x48xf32, #tpu.memory_space<hbm>>
      %dma_start3A_41 = tpu.memref_squeeze %dma_start3A_40 : memref<1x640x48xf32, #tpu.memory_space<hbm>> -> memref<640x48xf32, #tpu.memory_space<hbm>>
      %dma_start3A_42 = arith.constant 0 : i32
      %dma_start3A_43 = tpu.memref_slice %arg13[%mul3A_37, %dma_start3A_42] : memref<10240x48xf32, #tpu.memory_space<vmem_shared>> -> memref<640x48xf32, #tpu.memory_space<vmem_shared>>
      tpu.enqueue_dma source(%dma_start3A_43 : memref<640x48xf32, #tpu.memory_space<vmem_shared>>) target(%dma_start3A_41 : memref<640x48xf32, #tpu.memory_space<hbm>>) target_semaphore(%run_scoped3A : memref<!tpu.dma_semaphore, #tpu.memory_space<semaphore_mem>>)
      %dma_wait3A = arith.constant 0 : i32
      %dma_wait3A_44 = tpu.memref_slice %arg6[%arg0, %mul3A_39, %dma_wait3A] : memref<2x10240x48xf32, #tpu.memory_space<hbm>> -> memref<1x640x48xf32, #tpu.memory_space<hbm>>
      %dma_wait3A_45 = tpu.memref_squeeze %dma_wait3A_44 : memref<1x640x48xf32, #tpu.memory_space<hbm>> -> memref<640x48xf32, #tpu.memory_space<hbm>>
      %dma_wait3A_46 = arith.constant 0 : i32
      %dma_wait3A_47 = tpu.memref_slice %arg13[%mul3A_37, %dma_wait3A_46] : memref<10240x48xf32, #tpu.memory_space<vmem_shared>> -> memref<640x48xf32, #tpu.memory_space<vmem_shared>>
      tpu.wait_dma2 semaphore(%run_scoped3A : memref<!tpu.dma_semaphore, #tpu.memory_space<semaphore_mem>>) src(%dma_wait3A_47 : memref<640x48xf32, #tpu.memory_space<vmem_shared>>) dst(%dma_wait3A_45 : memref<640x48xf32, #tpu.memory_space<hbm>>)
      tpu.yield
    }) : () -> ()
    return
  }
}

module attributes {stable_mosaic.version = 14 : i64} {
  func.func @_k1_body(%arg0: i32, %arg1: memref<1280x128xf32, #tpu.memory_space<vmem>>, %arg2: memref<128x64xf32, #tpu.memory_space<vmem>>, %arg3: memref<1x64xf32, #tpu.memory_space<vmem>>, %arg4: memref<1x64xf32, #tpu.memory_space<vmem>>, %arg5: memref<1280x96xf32, #tpu.memory_space<vmem>>) attributes {dimension_semantics = [#tpu.dimension_semantics<arbitrary>], iteration_bounds = array<i64: 8>, scalar_prefetch = 0 : i64, scratch_operands = 0 : i64, tpu.core_type = #tpu.core_type<tc>, window_params = [{transform_indices = @transform_0, window_bounds = array<i64: 1280, 128>}, {pipeline_mode = #tpu.pipeline_mode<synchronous>, transform_indices = @transform_1, window_bounds = array<i64: 128, 64>}, {pipeline_mode = #tpu.pipeline_mode<synchronous>, transform_indices = @transform_2, window_bounds = array<i64: 1, 64>}, {pipeline_mode = #tpu.pipeline_mode<synchronous>, transform_indices = @transform_3, window_bounds = array<i64: 1, 64>}, {transform_indices = @transform_4, window_bounds = array<i64: 1280, 96>}]} {
    %get3A = arith.constant 0 : index
    %get3A_0 = arith.constant 0 : index
    %get3A_1 = vector.load %arg1[%get3A, %get3A_0] : memref<1280x128xf32, #tpu.memory_space<vmem>>, vector<1280x128xf32>
    %get3A_2 = arith.constant 0 : index
    %get3A_3 = arith.constant 0 : index
    %get3A_4 = vector.load %arg2[%get3A_2, %get3A_3] : memref<128x64xf32, #tpu.memory_space<vmem>>, vector<128x64xf32>
    %dot_general3A = arith.constant dense<0.000000e+00> : vector<1280x64xf32>
    %dot_general3A_5 = tpu.matmul %get3A_1, %get3A_4, %dot_general3A {dimension_numbers = #tpu.dot_dimension_numbers<[1], [0], [0], [1], [0, 0, 1, 1], [], []>, transpose_lhs_hint = false} : vector<1280x128xf32>, vector<128x64xf32>, vector<1280x64xf32> -> vector<1280x64xf32>
    %get3A_6 = arith.constant 0 : index
    %get3A_7 = arith.constant 0 : index
    %get3A_8 = vector.load %arg3[%get3A_6, %get3A_7] : memref<1x64xf32, #tpu.memory_space<vmem>>, vector<1x64xf32>
    %mul3A = vector.broadcast %get3A_8 : vector<1x64xf32> to vector<1280x64xf32>
    %mul3A_9 = arith.mulf %dot_general3A_5, %mul3A : vector<1280x64xf32>
    %get3A_10 = arith.constant 0 : index
    %get3A_11 = arith.constant 0 : index
    %get3A_12 = vector.load %arg4[%get3A_10, %get3A_11] : memref<1x64xf32, #tpu.memory_space<vmem>>, vector<1x64xf32>
    %mul3A_13 = vector.broadcast %get3A_12 : vector<1x64xf32> to vector<1280x64xf32>
    %mul3A_14 = arith.mulf %dot_general3A_5, %mul3A_13 : vector<1280x64xf32>
    %swap3A = arith.constant 0 : index
    %swap3A_15 = arith.constant 0 : index
    %swap3A_16 = vector.load %arg5[%swap3A, %swap3A_15] : memref<1280x96xf32, #tpu.memory_space<vmem>>, vector<1280x64xf32>
    tpu.vector_store %arg5[%swap3A, %swap3A_15], %dot_general3A_5 {strides = array<i32>} : memref<1280x96xf32, #tpu.memory_space<vmem>>, vector<1280x64xf32>,
    %broadcast_in_dim3A = arith.constant 0.000000e+00 : f32
    %broadcast_in_dim3A_17 = vector.broadcast %broadcast_in_dim3A : f32 to vector<1280x8xf32>
    %swap3A_18 = arith.constant 0 : index
    %swap3A_19 = arith.constant 72 : index
    %swap3A_20 = vector.load %arg5[%swap3A_18, %swap3A_19] : memref<1280x96xf32, #tpu.memory_space<vmem>>, vector<1280x8xf32>
    tpu.vector_store %arg5[%swap3A_18, %swap3A_19], %broadcast_in_dim3A_17 {strides = array<i32>} : memref<1280x96xf32, #tpu.memory_space<vmem>>, vector<1280x8xf32>,
    %swap3A_21 = arith.constant 0 : index
    %swap3A_22 = arith.constant 88 : index
    %swap3A_23 = vector.load %arg5[%swap3A_21, %swap3A_22] : memref<1280x96xf32, #tpu.memory_space<vmem>>, vector<1280x8xf32>
    tpu.vector_store %arg5[%swap3A_21, %swap3A_22], %broadcast_in_dim3A_17 {strides = array<i32>} : memref<1280x96xf32, #tpu.memory_space<vmem>>, vector<1280x8xf32>,
    %slice3A = vector.extract_strided_slice %mul3A_9 {offsets = [0, 0], sizes = [1280, 8], strides = [1, 1]} : vector<1280x64xf32> to vector<1280x8xf32>
    %reduce_sum3A = arith.constant dense<0.000000e+00> : vector<1280xf32>
    %reduce_sum3A_24 = vector.multi_reduction <add>, %slice3A, %reduce_sum3A [1] : vector<1280x8xf32> to vector<1280xf32>
    %broadcast_in_dim3A_25 = vector.shape_cast %reduce_sum3A_24 : vector<1280xf32> to vector<1280x1xf32>
    %swap3A_26 = arith.constant 0 : index
    %swap3A_27 = arith.constant 64 : index
    %swap3A_28 = vector.load %arg5[%swap3A_26, %swap3A_27] : memref<1280x96xf32, #tpu.memory_space<vmem>>, vector<1280x1xf32>
    tpu.vector_store %arg5[%swap3A_26, %swap3A_27], %broadcast_in_dim3A_25 {strides = array<i32>} : memref<1280x96xf32, #tpu.memory_space<vmem>>, vector<1280x1xf32>,
    %slice3A_29 = vector.extract_strided_slice %mul3A_14 {offsets = [0, 0], sizes = [1280, 8], strides = [1, 1]} : vector<1280x64xf32> to vector<1280x8xf32>
    %reduce_sum3A_30 = arith.constant dense<0.000000e+00> : vector<1280xf32>
    %reduce_sum3A_31 = vector.multi_reduction <add>, %slice3A_29, %reduce_sum3A_30 [1] : vector<1280x8xf32> to vector<1280xf32>
    %broadcast_in_dim3A_32 = vector.shape_cast %reduce_sum3A_31 : vector<1280xf32> to vector<1280x1xf32>
    %swap3A_33 = arith.constant 0 : index
    %swap3A_34 = arith.constant 80 : index
    %swap3A_35 = vector.load %arg5[%swap3A_33, %swap3A_34] : memref<1280x96xf32, #tpu.memory_space<vmem>>, vector<1280x1xf32>
    tpu.vector_store %arg5[%swap3A_33, %swap3A_34], %broadcast_in_dim3A_32 {strides = array<i32>} : memref<1280x96xf32, #tpu.memory_space<vmem>>, vector<1280x1xf32>,
    %slice3A_36 = vector.extract_strided_slice %mul3A_9 {offsets = [0, 8], sizes = [1280, 8], strides = [1, 1]} : vector<1280x64xf32> to vector<1280x8xf32>
    %reduce_sum3A_37 = arith.constant dense<0.000000e+00> : vector<1280xf32>
    %reduce_sum3A_38 = vector.multi_reduction <add>, %slice3A_36, %reduce_sum3A_37 [1] : vector<1280x8xf32> to vector<1280xf32>
    %broadcast_in_dim3A_39 = vector.shape_cast %reduce_sum3A_38 : vector<1280xf32> to vector<1280x1xf32>
    %swap3A_40 = arith.constant 0 : index
    %swap3A_41 = arith.constant 65 : index
    %swap3A_42 = vector.load %arg5[%swap3A_40, %swap3A_41] : memref<1280x96xf32, #tpu.memory_space<vmem>>, vector<1280x1xf32>
    tpu.vector_store %arg5[%swap3A_40, %swap3A_41], %broadcast_in_dim3A_39 {strides = array<i32>} : memref<1280x96xf32, #tpu.memory_space<vmem>>, vector<1280x1xf32>,
    %slice3A_43 = vector.extract_strided_slice %mul3A_14 {offsets = [0, 8], sizes = [1280, 8], strides = [1, 1]} : vector<1280x64xf32> to vector<1280x8xf32>
    %reduce_sum3A_44 = arith.constant dense<0.000000e+00> : vector<1280xf32>
    %reduce_sum3A_45 = vector.multi_reduction <add>, %slice3A_43, %reduce_sum3A_44 [1] : vector<1280x8xf32> to vector<1280xf32>
    %broadcast_in_dim3A_46 = vector.shape_cast %reduce_sum3A_45 : vector<1280xf32> to vector<1280x1xf32>
    %swap3A_47 = arith.constant 0 : index
    %swap3A_48 = arith.constant 81 : index
    %swap3A_49 = vector.load %arg5[%swap3A_47, %swap3A_48] : memref<1280x96xf32, #tpu.memory_space<vmem>>, vector<1280x1xf32>
    tpu.vector_store %arg5[%swap3A_47, %swap3A_48], %broadcast_in_dim3A_46 {strides = array<i32>} : memref<1280x96xf32, #tpu.memory_space<vmem>>, vector<1280x1xf32>,
    %slice3A_50 = vector.extract_strided_slice %mul3A_9 {offsets = [0, 16], sizes = [1280, 8], strides = [1, 1]} : vector<1280x64xf32> to vector<1280x8xf32>
    %reduce_sum3A_51 = arith.constant dense<0.000000e+00> : vector<1280xf32>
    %reduce_sum3A_52 = vector.multi_reduction <add>, %slice3A_50, %reduce_sum3A_51 [1] : vector<1280x8xf32> to vector<1280xf32>
    %broadcast_in_dim3A_53 = vector.shape_cast %reduce_sum3A_52 : vector<1280xf32> to vector<1280x1xf32>
    %swap3A_54 = arith.constant 0 : index
    %swap3A_55 = arith.constant 66 : index
    %swap3A_56 = vector.load %arg5[%swap3A_54, %swap3A_55] : memref<1280x96xf32, #tpu.memory_space<vmem>>, vector<1280x1xf32>
    tpu.vector_store %arg5[%swap3A_54, %swap3A_55], %broadcast_in_dim3A_53 {strides = array<i32>} : memref<1280x96xf32, #tpu.memory_space<vmem>>, vector<1280x1xf32>,
    %slice3A_57 = vector.extract_strided_slice %mul3A_14 {offsets = [0, 16], sizes = [1280, 8], strides = [1, 1]} : vector<1280x64xf32> to vector<1280x8xf32>
    %reduce_sum3A_58 = arith.constant dense<0.000000e+00> : vector<1280xf32>
    %reduce_sum3A_59 = vector.multi_reduction <add>, %slice3A_57, %reduce_sum3A_58 [1] : vector<1280x8xf32> to vector<1280xf32>
    %broadcast_in_dim3A_60 = vector.shape_cast %reduce_sum3A_59 : vector<1280xf32> to vector<1280x1xf32>
    %swap3A_61 = arith.constant 0 : index
    %swap3A_62 = arith.constant 82 : index
    %swap3A_63 = vector.load %arg5[%swap3A_61, %swap3A_62] : memref<1280x96xf32, #tpu.memory_space<vmem>>, vector<1280x1xf32>
    tpu.vector_store %arg5[%swap3A_61, %swap3A_62], %broadcast_in_dim3A_60 {strides = array<i32>} : memref<1280x96xf32, #tpu.memory_space<vmem>>, vector<1280x1xf32>,
    %slice3A_64 = vector.extract_strided_slice %mul3A_9 {offsets = [0, 24], sizes = [1280, 8], strides = [1, 1]} : vector<1280x64xf32> to vector<1280x8xf32>
    %reduce_sum3A_65 = arith.constant dense<0.000000e+00> : vector<1280xf32>
    %reduce_sum3A_66 = vector.multi_reduction <add>, %slice3A_64, %reduce_sum3A_65 [1] : vector<1280x8xf32> to vector<1280xf32>
    %broadcast_in_dim3A_67 = vector.shape_cast %reduce_sum3A_66 : vector<1280xf32> to vector<1280x1xf32>
    %swap3A_68 = arith.constant 0 : index
    %swap3A_69 = arith.constant 67 : index
    %swap3A_70 = vector.load %arg5[%swap3A_68, %swap3A_69] : memref<1280x96xf32, #tpu.memory_space<vmem>>, vector<1280x1xf32>
    tpu.vector_store %arg5[%swap3A_68, %swap3A_69], %broadcast_in_dim3A_67 {strides = array<i32>} : memref<1280x96xf32, #tpu.memory_space<vmem>>, vector<1280x1xf32>,
    %slice3A_71 = vector.extract_strided_slice %mul3A_14 {offsets = [0, 24], sizes = [1280, 8], strides = [1, 1]} : vector<1280x64xf32> to vector<1280x8xf32>
    %reduce_sum3A_72 = arith.constant dense<0.000000e+00> : vector<1280xf32>
    %reduce_sum3A_73 = vector.multi_reduction <add>, %slice3A_71, %reduce_sum3A_72 [1] : vector<1280x8xf32> to vector<1280xf32>
    %broadcast_in_dim3A_74 = vector.shape_cast %reduce_sum3A_73 : vector<1280xf32> to vector<1280x1xf32>
    %swap3A_75 = arith.constant 0 : index
    %swap3A_76 = arith.constant 83 : index
    %swap3A_77 = vector.load %arg5[%swap3A_75, %swap3A_76] : memref<1280x96xf32, #tpu.memory_space<vmem>>, vector<1280x1xf32>
    tpu.vector_store %arg5[%swap3A_75, %swap3A_76], %broadcast_in_dim3A_74 {strides = array<i32>} : memref<1280x96xf32, #tpu.memory_space<vmem>>, vector<1280x1xf32>,
    %slice3A_78 = vector.extract_strided_slice %mul3A_9 {offsets = [0, 32], sizes = [1280, 8], strides = [1, 1]} : vector<1280x64xf32> to vector<1280x8xf32>
    %reduce_sum3A_79 = arith.constant dense<0.000000e+00> : vector<1280xf32>
    %reduce_sum3A_80 = vector.multi_reduction <add>, %slice3A_78, %reduce_sum3A_79 [1] : vector<1280x8xf32> to vector<1280xf32>
    %broadcast_in_dim3A_81 = vector.shape_cast %reduce_sum3A_80 : vector<1280xf32> to vector<1280x1xf32>
    %swap3A_82 = arith.constant 0 : index
    %swap3A_83 = arith.constant 68 : index
    %swap3A_84 = vector.load %arg5[%swap3A_82, %swap3A_83] : memref<1280x96xf32, #tpu.memory_space<vmem>>, vector<1280x1xf32>
    tpu.vector_store %arg5[%swap3A_82, %swap3A_83], %broadcast_in_dim3A_81 {strides = array<i32>} : memref<1280x96xf32, #tpu.memory_space<vmem>>, vector<1280x1xf32>,
    %slice3A_85 = vector.extract_strided_slice %mul3A_14 {offsets = [0, 32], sizes = [1280, 8], strides = [1, 1]} : vector<1280x64xf32> to vector<1280x8xf32>
    %reduce_sum3A_86 = arith.constant dense<0.000000e+00> : vector<1280xf32>
    %reduce_sum3A_87 = vector.multi_reduction <add>, %slice3A_85, %reduce_sum3A_86 [1] : vector<1280x8xf32> to vector<1280xf32>
    %broadcast_in_dim3A_88 = vector.shape_cast %reduce_sum3A_87 : vector<1280xf32> to vector<1280x1xf32>
    %swap3A_89 = arith.constant 0 : index
    %swap3A_90 = arith.constant 84 : index
    %swap3A_91 = vector.load %arg5[%swap3A_89, %swap3A_90] : memref<1280x96xf32, #tpu.memory_space<vmem>>, vector<1280x1xf32>
    tpu.vector_store %arg5[%swap3A_89, %swap3A_90], %broadcast_in_dim3A_88 {strides = array<i32>} : memref<1280x96xf32, #tpu.memory_space<vmem>>, vector<1280x1xf32>,
    %slice3A_92 = vector.extract_strided_slice %mul3A_9 {offsets = [0, 40], sizes = [1280, 8], strides = [1, 1]} : vector<1280x64xf32> to vector<1280x8xf32>
    %reduce_sum3A_93 = arith.constant dense<0.000000e+00> : vector<1280xf32>
    %reduce_sum3A_94 = vector.multi_reduction <add>, %slice3A_92, %reduce_sum3A_93 [1] : vector<1280x8xf32> to vector<1280xf32>
    %broadcast_in_dim3A_95 = vector.shape_cast %reduce_sum3A_94 : vector<1280xf32> to vector<1280x1xf32>
    %swap3A_96 = arith.constant 0 : index
    %swap3A_97 = arith.constant 69 : index
    %swap3A_98 = vector.load %arg5[%swap3A_96, %swap3A_97] : memref<1280x96xf32, #tpu.memory_space<vmem>>, vector<1280x1xf32>
    tpu.vector_store %arg5[%swap3A_96, %swap3A_97], %broadcast_in_dim3A_95 {strides = array<i32>} : memref<1280x96xf32, #tpu.memory_space<vmem>>, vector<1280x1xf32>,
    %slice3A_99 = vector.extract_strided_slice %mul3A_14 {offsets = [0, 40], sizes = [1280, 8], strides = [1, 1]} : vector<1280x64xf32> to vector<1280x8xf32>
    %reduce_sum3A_100 = arith.constant dense<0.000000e+00> : vector<1280xf32>
    %reduce_sum3A_101 = vector.multi_reduction <add>, %slice3A_99, %reduce_sum3A_100 [1] : vector<1280x8xf32> to vector<1280xf32>
    %broadcast_in_dim3A_102 = vector.shape_cast %reduce_sum3A_101 : vector<1280xf32> to vector<1280x1xf32>
    %swap3A_103 = arith.constant 0 : index
    %swap3A_104 = arith.constant 85 : index
    %swap3A_105 = vector.load %arg5[%swap3A_103, %swap3A_104] : memref<1280x96xf32, #tpu.memory_space<vmem>>, vector<1280x1xf32>
    tpu.vector_store %arg5[%swap3A_103, %swap3A_104], %broadcast_in_dim3A_102 {strides = array<i32>} : memref<1280x96xf32, #tpu.memory_space<vmem>>, vector<1280x1xf32>,
    %slice3A_106 = vector.extract_strided_slice %mul3A_9 {offsets = [0, 48], sizes = [1280, 8], strides = [1, 1]} : vector<1280x64xf32> to vector<1280x8xf32>
    %reduce_sum3A_107 = arith.constant dense<0.000000e+00> : vector<1280xf32>
    %reduce_sum3A_108 = vector.multi_reduction <add>, %slice3A_106, %reduce_sum3A_107 [1] : vector<1280x8xf32> to vector<1280xf32>
    %broadcast_in_dim3A_109 = vector.shape_cast %reduce_sum3A_108 : vector<1280xf32> to vector<1280x1xf32>
    %swap3A_110 = arith.constant 0 : index
    %swap3A_111 = arith.constant 70 : index
    %swap3A_112 = vector.load %arg5[%swap3A_110, %swap3A_111] : memref<1280x96xf32, #tpu.memory_space<vmem>>, vector<1280x1xf32>
    tpu.vector_store %arg5[%swap3A_110, %swap3A_111], %broadcast_in_dim3A_109 {strides = array<i32>} : memref<1280x96xf32, #tpu.memory_space<vmem>>, vector<1280x1xf32>,
    %slice3A_113 = vector.extract_strided_slice %mul3A_14 {offsets = [0, 48], sizes = [1280, 8], strides = [1, 1]} : vector<1280x64xf32> to vector<1280x8xf32>
    %reduce_sum3A_114 = arith.constant dense<0.000000e+00> : vector<1280xf32>
    %reduce_sum3A_115 = vector.multi_reduction <add>, %slice3A_113, %reduce_sum3A_114 [1] : vector<1280x8xf32> to vector<1280xf32>
    %broadcast_in_dim3A_116 = vector.shape_cast %reduce_sum3A_115 : vector<1280xf32> to vector<1280x1xf32>
    %swap3A_117 = arith.constant 0 : index
    %swap3A_118 = arith.constant 86 : index
    %swap3A_119 = vector.load %arg5[%swap3A_117, %swap3A_118] : memref<1280x96xf32, #tpu.memory_space<vmem>>, vector<1280x1xf32>
    tpu.vector_store %arg5[%swap3A_117, %swap3A_118], %broadcast_in_dim3A_116 {strides = array<i32>} : memref<1280x96xf32, #tpu.memory_space<vmem>>, vector<1280x1xf32>,
    %slice3A_120 = vector.extract_strided_slice %mul3A_9 {offsets = [0, 56], sizes = [1280, 8], strides = [1, 1]} : vector<1280x64xf32> to vector<1280x8xf32>
    %reduce_sum3A_121 = arith.constant dense<0.000000e+00> : vector<1280xf32>
    %reduce_sum3A_122 = vector.multi_reduction <add>, %slice3A_120, %reduce_sum3A_121 [1] : vector<1280x8xf32> to vector<1280xf32>
    %broadcast_in_dim3A_123 = vector.shape_cast %reduce_sum3A_122 : vector<1280xf32> to vector<1280x1xf32>
    %swap3A_124 = arith.constant 0 : index
    %swap3A_125 = arith.constant 71 : index
    %swap3A_126 = vector.load %arg5[%swap3A_124, %swap3A_125] : memref<1280x96xf32, #tpu.memory_space<vmem>>, vector<1280x1xf32>
    tpu.vector_store %arg5[%swap3A_124, %swap3A_125], %broadcast_in_dim3A_123 {strides = array<i32>} : memref<1280x96xf32, #tpu.memory_space<vmem>>, vector<1280x1xf32>,
    %slice3A_127 = vector.extract_strided_slice %mul3A_14 {offsets = [0, 56], sizes = [1280, 8], strides = [1, 1]} : vector<1280x64xf32> to vector<1280x8xf32>
    %reduce_sum3A_128 = arith.constant dense<0.000000e+00> : vector<1280xf32>
    %reduce_sum3A_129 = vector.multi_reduction <add>, %slice3A_127, %reduce_sum3A_128 [1] : vector<1280x8xf32> to vector<1280xf32>
    %broadcast_in_dim3A_130 = vector.shape_cast %reduce_sum3A_129 : vector<1280xf32> to vector<1280x1xf32>
    %swap3A_131 = arith.constant 0 : index
    %swap3A_132 = arith.constant 87 : index
    %swap3A_133 = vector.load %arg5[%swap3A_131, %swap3A_132] : memref<1280x96xf32, #tpu.memory_space<vmem>>, vector<1280x1xf32>
    tpu.vector_store %arg5[%swap3A_131, %swap3A_132], %broadcast_in_dim3A_130 {strides = array<i32>} : memref<1280x96xf32, #tpu.memory_space<vmem>>, vector<1280x1xf32>,
    return
  }
  func.func @transform_0(%arg0: i32) -> (i32, i32) {
    %c0_i32 = arith.constant 0 : i32
    %c0_i32_0 = arith.constant 0 : i32
    return %arg0, %c0_i32 : i32, i32
  }
  func.func @transform_1(%arg0: i32) -> (i32, i32) {
    %c0_i32 = arith.constant 0 : i32
    %c0_i32_0 = arith.constant 0 : i32
    %c0_i32_1 = arith.constant 0 : i32
    return %c0_i32, %c0_i32_0 : i32, i32
  }
  func.func @transform_2(%arg0: i32) -> (i32, i32) {
    %c0_i32 = arith.constant 0 : i32
    %c0_i32_0 = arith.constant 0 : i32
    %c0_i32_1 = arith.constant 0 : i32
    return %c0_i32, %c0_i32_0 : i32, i32
  }
  func.func @transform_3(%arg0: i32) -> (i32, i32) {
    %c0_i32 = arith.constant 0 : i32
    %c0_i32_0 = arith.constant 0 : i32
    %c0_i32_1 = arith.constant 0 : i32
    return %c0_i32, %c0_i32_0 : i32, i32
  }
  func.func @transform_4(%arg0: i32) -> (i32, i32) {
    %c0_i32 = arith.constant 0 : i32
    %c0_i32_0 = arith.constant 0 : i32
    return %arg0, %c0_i32 : i32, i32
  }
}

module attributes {stable_mosaic.version = 14 : i64} {
  func.func @_k2_body(%arg0: i32, %arg1: memref<1280x80xf32, #tpu.memory_space<vmem>>, %arg2: memref<1280x80xf32, #tpu.memory_space<vmem>>, %arg3: memref<1x64xf32, #tpu.memory_space<vmem>>, %arg4: memref<64x32xf32, #tpu.memory_space<vmem>>, %arg5: memref<1x32xf32, #tpu.memory_space<vmem>>, %arg6: memref<1x32xf32, #tpu.memory_space<vmem>>, %arg7: memref<1280x64xf32, #tpu.memory_space<vmem>>) attributes {dimension_semantics = [#tpu.dimension_semantics<arbitrary>], iteration_bounds = array<i64: 8>, scalar_prefetch = 0 : i64, scratch_operands = 0 : i64, tpu.core_type = #tpu.core_type<tc>, window_params = [{transform_indices = @transform_0, window_bounds = array<i64: 1280, 80>}, {transform_indices = @transform_1, window_bounds = array<i64: 1280, 80>}, {pipeline_mode = #tpu.pipeline_mode<synchronous>, transform_indices = @transform_2, window_bounds = array<i64: 1, 64>}, {pipeline_mode = #tpu.pipeline_mode<synchronous>, transform_indices = @transform_3, window_bounds = array<i64: 64, 32>}, {pipeline_mode = #tpu.pipeline_mode<synchronous>, transform_indices = @transform_4, window_bounds = array<i64: 1, 32>}, {pipeline_mode = #tpu.pipeline_mode<synchronous>, transform_indices = @transform_5, window_bounds = array<i64: 1, 32>}, {transform_indices = @transform_6, window_bounds = array<i64: 1280, 64>}]} {
    %get3A = arith.constant 0 : index
    %get3A_0 = arith.constant 0 : index
    %get3A_1 = vector.load %arg1[%get3A, %get3A_0] : memref<1280x80xf32, #tpu.memory_space<vmem>>, vector<1280x80xf32>
    %get3A_2 = arith.constant 0 : index
    %get3A_3 = arith.constant 0 : index
    %get3A_4 = vector.load %arg2[%get3A_2, %get3A_3] : memref<1280x80xf32, #tpu.memory_space<vmem>>, vector<1280x80xf32>
    %add3A = arith.addf %get3A_1, %get3A_4 : vector<1280x80xf32>
    %slice3A = vector.extract_strided_slice %add3A {offsets = [0, 0], sizes = [1280, 64], strides = [1, 1]} : vector<1280x80xf32> to vector<1280x64xf32>
    %slice3A_5 = vector.extract_strided_slice %add3A {offsets = [0, 64], sizes = [1280, 8], strides = [1, 1]} : vector<1280x80xf32> to vector<1280x8xf32>
    %slice3A_6 = vector.extract_strided_slice %slice3A {offsets = [0, 0], sizes = [1280, 8], strides = [1, 1]} : vector<1280x64xf32> to vector<1280x8xf32>
    %slice3A_7 = vector.extract_strided_slice %slice3A_5 {offsets = [0, 0], sizes = [1280, 1], strides = [1, 1]} : vector<1280x8xf32> to vector<1280x1xf32>
    %add3A_8 = arith.constant 1.000000e-16 : f32
    %add3A_9 = vector.broadcast %add3A_8 : f32 to vector<1280x1xf32>
    %add3A_10 = arith.addf %slice3A_7, %add3A_9 : vector<1280x1xf32>
    %div3A = vector.broadcast %add3A_10 : vector<1280x1xf32> to vector<1280x8xf32>
    %div3A_11 = arith.divf %slice3A_6, %div3A : vector<1280x8xf32>
    %slice3A_12 = vector.extract_strided_slice %slice3A {offsets = [0, 8], sizes = [1280, 8], strides = [1, 1]} : vector<1280x64xf32> to vector<1280x8xf32>
    %slice3A_13 = vector.extract_strided_slice %slice3A_5 {offsets = [0, 1], sizes = [1280, 1], strides = [1, 1]} : vector<1280x8xf32> to vector<1280x1xf32>
    %add3A_14 = arith.constant 1.000000e-16 : f32
    %add3A_15 = vector.broadcast %add3A_14 : f32 to vector<1280x1xf32>
    %add3A_16 = arith.addf %slice3A_13, %add3A_15 : vector<1280x1xf32>
    %div3A_17 = vector.broadcast %add3A_16 : vector<1280x1xf32> to vector<1280x8xf32>
    %div3A_18 = arith.divf %slice3A_12, %div3A_17 : vector<1280x8xf32>
    %slice3A_19 = vector.extract_strided_slice %slice3A {offsets = [0, 16], sizes = [1280, 8], strides = [1, 1]} : vector<1280x64xf32> to vector<1280x8xf32>
    %slice3A_20 = vector.extract_strided_slice %slice3A_5 {offsets = [0, 2], sizes = [1280, 1], strides = [1, 1]} : vector<1280x8xf32> to vector<1280x1xf32>
    %add3A_21 = arith.constant 1.000000e-16 : f32
    %add3A_22 = vector.broadcast %add3A_21 : f32 to vector<1280x1xf32>
    %add3A_23 = arith.addf %slice3A_20, %add3A_22 : vector<1280x1xf32>
    %div3A_24 = vector.broadcast %add3A_23 : vector<1280x1xf32> to vector<1280x8xf32>
    %div3A_25 = arith.divf %slice3A_19, %div3A_24 : vector<1280x8xf32>
    %slice3A_26 = vector.extract_strided_slice %slice3A {offsets = [0, 24], sizes = [1280, 8], strides = [1, 1]} : vector<1280x64xf32> to vector<1280x8xf32>
    %slice3A_27 = vector.extract_strided_slice %slice3A_5 {offsets = [0, 3], sizes = [1280, 1], strides = [1, 1]} : vector<1280x8xf32> to vector<1280x1xf32>
    %add3A_28 = arith.constant 1.000000e-16 : f32
    %add3A_29 = vector.broadcast %add3A_28 : f32 to vector<1280x1xf32>
    %add3A_30 = arith.addf %slice3A_27, %add3A_29 : vector<1280x1xf32>
    %div3A_31 = vector.broadcast %add3A_30 : vector<1280x1xf32> to vector<1280x8xf32>
    %div3A_32 = arith.divf %slice3A_26, %div3A_31 : vector<1280x8xf32>
    %slice3A_33 = vector.extract_strided_slice %slice3A {offsets = [0, 32], sizes = [1280, 8], strides = [1, 1]} : vector<1280x64xf32> to vector<1280x8xf32>
    %slice3A_34 = vector.extract_strided_slice %slice3A_5 {offsets = [0, 4], sizes = [1280, 1], strides = [1, 1]} : vector<1280x8xf32> to vector<1280x1xf32>
    %add3A_35 = arith.constant 1.000000e-16 : f32
    %add3A_36 = vector.broadcast %add3A_35 : f32 to vector<1280x1xf32>
    %add3A_37 = arith.addf %slice3A_34, %add3A_36 : vector<1280x1xf32>
    %div3A_38 = vector.broadcast %add3A_37 : vector<1280x1xf32> to vector<1280x8xf32>
    %div3A_39 = arith.divf %slice3A_33, %div3A_38 : vector<1280x8xf32>
    %slice3A_40 = vector.extract_strided_slice %slice3A {offsets = [0, 40], sizes = [1280, 8], strides = [1, 1]} : vector<1280x64xf32> to vector<1280x8xf32>
    %slice3A_41 = vector.extract_strided_slice %slice3A_5 {offsets = [0, 5], sizes = [1280, 1], strides = [1, 1]} : vector<1280x8xf32> to vector<1280x1xf32>
    %add3A_42 = arith.constant 1.000000e-16 : f32
    %add3A_43 = vector.broadcast %add3A_42 : f32 to vector<1280x1xf32>
    %add3A_44 = arith.addf %slice3A_41, %add3A_43 : vector<1280x1xf32>
    %div3A_45 = vector.broadcast %add3A_44 : vector<1280x1xf32> to vector<1280x8xf32>
    %div3A_46 = arith.divf %slice3A_40, %div3A_45 : vector<1280x8xf32>
    %slice3A_47 = vector.extract_strided_slice %slice3A {offsets = [0, 48], sizes = [1280, 8], strides = [1, 1]} : vector<1280x64xf32> to vector<1280x8xf32>
    %slice3A_48 = vector.extract_strided_slice %slice3A_5 {offsets = [0, 6], sizes = [1280, 1], strides = [1, 1]} : vector<1280x8xf32> to vector<1280x1xf32>
    %add3A_49 = arith.constant 1.000000e-16 : f32
    %add3A_50 = vector.broadcast %add3A_49 : f32 to vector<1280x1xf32>
    %add3A_51 = arith.addf %slice3A_48, %add3A_50 : vector<1280x1xf32>
    %div3A_52 = vector.broadcast %add3A_51 : vector<1280x1xf32> to vector<1280x8xf32>
    %div3A_53 = arith.divf %slice3A_47, %div3A_52 : vector<1280x8xf32>
    %slice3A_54 = vector.extract_strided_slice %slice3A {offsets = [0, 56], sizes = [1280, 8], strides = [1, 1]} : vector<1280x64xf32> to vector<1280x8xf32>
    %slice3A_55 = vector.extract_strided_slice %slice3A_5 {offsets = [0, 7], sizes = [1280, 1], strides = [1, 1]} : vector<1280x8xf32> to vector<1280x1xf32>
    %add3A_56 = arith.constant 1.000000e-16 : f32
    %add3A_57 = vector.broadcast %add3A_56 : f32 to vector<1280x1xf32>
    %add3A_58 = arith.addf %slice3A_55, %add3A_57 : vector<1280x1xf32>
    %div3A_59 = vector.broadcast %add3A_58 : vector<1280x1xf32> to vector<1280x8xf32>
    %div3A_60 = arith.divf %slice3A_54, %div3A_59 : vector<1280x8xf32>
    %concatenate3A = tpu.concatenate %div3A_11, %div3A_18, %div3A_25, %div3A_32, %div3A_39, %div3A_46, %div3A_53, %div3A_60 in 1 : vector<1280x8xf32>, vector<1280x8xf32>, vector<1280x8xf32>, vector<1280x8xf32>, vector<1280x8xf32>, vector<1280x8xf32>, vector<1280x8xf32>, vector<1280x8xf32> -> vector<1280x64xf32>
    %get3A_61 = arith.constant 0 : index
    %get3A_62 = arith.constant 0 : index
    %get3A_63 = vector.load %arg3[%get3A_61, %get3A_62] : memref<1x64xf32, #tpu.memory_space<vmem>>, vector<1x64xf32>
    %add3A_64 = vector.broadcast %get3A_63 : vector<1x64xf32> to vector<1280x64xf32>
    %add3A_65 = arith.addf %concatenate3A, %add3A_64 : vector<1280x64xf32>
    %gt3A = arith.constant 0.000000e+00 : f32
    %gt3A_66 = vector.broadcast %gt3A : f32 to vector<1280x64xf32>
    %gt3A_67 = arith.cmpf ogt, %add3A_65, %gt3A_66 : vector<1280x64xf32>
    %min3A = arith.constant 0.000000e+00 : f32
    %min3A_68 = vector.broadcast %min3A : f32 to vector<1280x64xf32>
    %min3A_69 = arith.minimumf %add3A_65, %min3A_68 : vector<1280x64xf32>
    %exp3A = math.exp %min3A_69 : vector<1280x64xf32>
    %sub3A = arith.constant 1.000000e+00 : f32
    %sub3A_70 = vector.broadcast %sub3A : f32 to vector<1280x64xf32>
    %sub3A_71 = arith.subf %exp3A, %sub3A_70 : vector<1280x64xf32>
    %select_n3A = arith.select %gt3A_67, %add3A_65, %sub3A_71 : vector<1280x64xi1>, vector<1280x64xf32>
    %get3A_72 = arith.constant 0 : index
    %get3A_73 = arith.constant 0 : index
    %get3A_74 = vector.load %arg4[%get3A_72, %get3A_73] : memref<64x32xf32, #tpu.memory_space<vmem>>, vector<64x32xf32>
    %dot_general3A = arith.constant dense<0.000000e+00> : vector<1280x32xf32>
    %dot_general3A_75 = tpu.matmul %select_n3A, %get3A_74, %dot_general3A {dimension_numbers = #tpu.dot_dimension_numbers<[1], [0], [0], [1], [0, 0, 1, 1], [], []>, transpose_lhs_hint = false} : vector<1280x64xf32>, vector<64x32xf32>, vector<1280x32xf32> -> vector<1280x32xf32>
    %swap3A = arith.constant 0 : index
    %swap3A_76 = arith.constant 0 : index
    %swap3A_77 = vector.load %arg7[%swap3A, %swap3A_76] : memref<1280x64xf32, #tpu.memory_space<vmem>>, vector<1280x32xf32>
    tpu.vector_store %arg7[%swap3A, %swap3A_76], %dot_general3A_75 {strides = array<i32>} : memref<1280x64xf32, #tpu.memory_space<vmem>>, vector<1280x32xf32>,
    %get3A_78 = arith.constant 0 : index
    %get3A_79 = arith.constant 0 : index
    %get3A_80 = vector.load %arg5[%get3A_78, %get3A_79] : memref<1x32xf32, #tpu.memory_space<vmem>>, vector<1x32xf32>
    %mul3A = vector.broadcast %get3A_80 : vector<1x32xf32> to vector<1280x32xf32>
    %mul3A_81 = arith.mulf %dot_general3A_75, %mul3A : vector<1280x32xf32>
    %reduce_sum3A = arith.constant dense<0.000000e+00> : vector<1280xf32>
    %reduce_sum3A_82 = vector.multi_reduction <add>, %mul3A_81, %reduce_sum3A [1] : vector<1280x32xf32> to vector<1280xf32>
    %broadcast_in_dim3A = vector.shape_cast %reduce_sum3A_82 : vector<1280xf32> to vector<1280x1xf32>
    %get3A_83 = arith.constant 0 : index
    %get3A_84 = arith.constant 0 : index
    %get3A_85 = vector.load %arg6[%get3A_83, %get3A_84] : memref<1x32xf32, #tpu.memory_space<vmem>>, vector<1x32xf32>
    %mul3A_86 = vector.broadcast %get3A_85 : vector<1x32xf32> to vector<1280x32xf32>
    %mul3A_87 = arith.mulf %dot_general3A_75, %mul3A_86 : vector<1280x32xf32>
    %reduce_sum3A_88 = arith.constant dense<0.000000e+00> : vector<1280xf32>
    %reduce_sum3A_89 = vector.multi_reduction <add>, %mul3A_87, %reduce_sum3A_88 [1] : vector<1280x32xf32> to vector<1280xf32>
    %broadcast_in_dim3A_90 = vector.shape_cast %reduce_sum3A_89 : vector<1280xf32> to vector<1280x1xf32>
    %swap3A_91 = arith.constant 0 : index
    %swap3A_92 = arith.constant 32 : index
    %swap3A_93 = vector.load %arg7[%swap3A_91, %swap3A_92] : memref<1280x64xf32, #tpu.memory_space<vmem>>, vector<1280x1xf32>
    tpu.vector_store %arg7[%swap3A_91, %swap3A_92], %broadcast_in_dim3A {strides = array<i32>} : memref<1280x64xf32, #tpu.memory_space<vmem>>, vector<1280x1xf32>,
    %swap3A_94 = arith.constant 0 : index
    %swap3A_95 = arith.constant 48 : index
    %swap3A_96 = vector.load %arg7[%swap3A_94, %swap3A_95] : memref<1280x64xf32, #tpu.memory_space<vmem>>, vector<1280x1xf32>
    tpu.vector_store %arg7[%swap3A_94, %swap3A_95], %broadcast_in_dim3A_90 {strides = array<i32>} : memref<1280x64xf32, #tpu.memory_space<vmem>>, vector<1280x1xf32>,
    %swap3A_97 = arith.constant 0 : index
    %swap3A_98 = arith.constant 33 : index
    %swap3A_99 = vector.load %arg7[%swap3A_97, %swap3A_98] : memref<1280x64xf32, #tpu.memory_space<vmem>>, vector<1280x1xf32>
    tpu.vector_store %arg7[%swap3A_97, %swap3A_98], %broadcast_in_dim3A {strides = array<i32>} : memref<1280x64xf32, #tpu.memory_space<vmem>>, vector<1280x1xf32>,
    %swap3A_100 = arith.constant 0 : index
    %swap3A_101 = arith.constant 49 : index
    %swap3A_102 = vector.load %arg7[%swap3A_100, %swap3A_101] : memref<1280x64xf32, #tpu.memory_space<vmem>>, vector<1280x1xf32>
    tpu.vector_store %arg7[%swap3A_100, %swap3A_101], %broadcast_in_dim3A_90 {strides = array<i32>} : memref<1280x64xf32, #tpu.memory_space<vmem>>, vector<1280x1xf32>,
    %swap3A_103 = arith.constant 0 : index
    %swap3A_104 = arith.constant 34 : index
    %swap3A_105 = vector.load %arg7[%swap3A_103, %swap3A_104] : memref<1280x64xf32, #tpu.memory_space<vmem>>, vector<1280x1xf32>
    tpu.vector_store %arg7[%swap3A_103, %swap3A_104], %broadcast_in_dim3A {strides = array<i32>} : memref<1280x64xf32, #tpu.memory_space<vmem>>, vector<1280x1xf32>,
    %swap3A_106 = arith.constant 0 : index
    %swap3A_107 = arith.constant 50 : index
    %swap3A_108 = vector.load %arg7[%swap3A_106, %swap3A_107] : memref<1280x64xf32, #tpu.memory_space<vmem>>, vector<1280x1xf32>
    tpu.vector_store %arg7[%swap3A_106, %swap3A_107], %broadcast_in_dim3A_90 {strides = array<i32>} : memref<1280x64xf32, #tpu.memory_space<vmem>>, vector<1280x1xf32>,
    %swap3A_109 = arith.constant 0 : index
    %swap3A_110 = arith.constant 35 : index
    %swap3A_111 = vector.load %arg7[%swap3A_109, %swap3A_110] : memref<1280x64xf32, #tpu.memory_space<vmem>>, vector<1280x1xf32>
    tpu.vector_store %arg7[%swap3A_109, %swap3A_110], %broadcast_in_dim3A {strides = array<i32>} : memref<1280x64xf32, #tpu.memory_space<vmem>>, vector<1280x1xf32>,
    %swap3A_112 = arith.constant 0 : index
    %swap3A_113 = arith.constant 51 : index
    %swap3A_114 = vector.load %arg7[%swap3A_112, %swap3A_113] : memref<1280x64xf32, #tpu.memory_space<vmem>>, vector<1280x1xf32>
    tpu.vector_store %arg7[%swap3A_112, %swap3A_113], %broadcast_in_dim3A_90 {strides = array<i32>} : memref<1280x64xf32, #tpu.memory_space<vmem>>, vector<1280x1xf32>,
    %swap3A_115 = arith.constant 0 : index
    %swap3A_116 = arith.constant 36 : index
    %swap3A_117 = vector.load %arg7[%swap3A_115, %swap3A_116] : memref<1280x64xf32, #tpu.memory_space<vmem>>, vector<1280x1xf32>
    tpu.vector_store %arg7[%swap3A_115, %swap3A_116], %broadcast_in_dim3A {strides = array<i32>} : memref<1280x64xf32, #tpu.memory_space<vmem>>, vector<1280x1xf32>,
    %swap3A_118 = arith.constant 0 : index
    %swap3A_119 = arith.constant 52 : index
    %swap3A_120 = vector.load %arg7[%swap3A_118, %swap3A_119] : memref<1280x64xf32, #tpu.memory_space<vmem>>, vector<1280x1xf32>
    tpu.vector_store %arg7[%swap3A_118, %swap3A_119], %broadcast_in_dim3A_90 {strides = array<i32>} : memref<1280x64xf32, #tpu.memory_space<vmem>>, vector<1280x1xf32>,
    %swap3A_121 = arith.constant 0 : index
    %swap3A_122 = arith.constant 37 : index
    %swap3A_123 = vector.load %arg7[%swap3A_121, %swap3A_122] : memref<1280x64xf32, #tpu.memory_space<vmem>>, vector<1280x1xf32>
    tpu.vector_store %arg7[%swap3A_121, %swap3A_122], %broadcast_in_dim3A {strides = array<i32>} : memref<1280x64xf32, #tpu.memory_space<vmem>>, vector<1280x1xf32>,
    %swap3A_124 = arith.constant 0 : index
    %swap3A_125 = arith.constant 53 : index
    %swap3A_126 = vector.load %arg7[%swap3A_124, %swap3A_125] : memref<1280x64xf32, #tpu.memory_space<vmem>>, vector<1280x1xf32>
    tpu.vector_store %arg7[%swap3A_124, %swap3A_125], %broadcast_in_dim3A_90 {strides = array<i32>} : memref<1280x64xf32, #tpu.memory_space<vmem>>, vector<1280x1xf32>,
    %swap3A_127 = arith.constant 0 : index
    %swap3A_128 = arith.constant 38 : index
    %swap3A_129 = vector.load %arg7[%swap3A_127, %swap3A_128] : memref<1280x64xf32, #tpu.memory_space<vmem>>, vector<1280x1xf32>
    tpu.vector_store %arg7[%swap3A_127, %swap3A_128], %broadcast_in_dim3A {strides = array<i32>} : memref<1280x64xf32, #tpu.memory_space<vmem>>, vector<1280x1xf32>,
    %swap3A_130 = arith.constant 0 : index
    %swap3A_131 = arith.constant 54 : index
    %swap3A_132 = vector.load %arg7[%swap3A_130, %swap3A_131] : memref<1280x64xf32, #tpu.memory_space<vmem>>, vector<1280x1xf32>
    tpu.vector_store %arg7[%swap3A_130, %swap3A_131], %broadcast_in_dim3A_90 {strides = array<i32>} : memref<1280x64xf32, #tpu.memory_space<vmem>>, vector<1280x1xf32>,
    %swap3A_133 = arith.constant 0 : index
    %swap3A_134 = arith.constant 39 : index
    %swap3A_135 = vector.load %arg7[%swap3A_133, %swap3A_134] : memref<1280x64xf32, #tpu.memory_space<vmem>>, vector<1280x1xf32>
    tpu.vector_store %arg7[%swap3A_133, %swap3A_134], %broadcast_in_dim3A {strides = array<i32>} : memref<1280x64xf32, #tpu.memory_space<vmem>>, vector<1280x1xf32>,
    %swap3A_136 = arith.constant 0 : index
    %swap3A_137 = arith.constant 55 : index
    %swap3A_138 = vector.load %arg7[%swap3A_136, %swap3A_137] : memref<1280x64xf32, #tpu.memory_space<vmem>>, vector<1280x1xf32>
    tpu.vector_store %arg7[%swap3A_136, %swap3A_137], %broadcast_in_dim3A_90 {strides = array<i32>} : memref<1280x64xf32, #tpu.memory_space<vmem>>, vector<1280x1xf32>,
    %swap3A_139 = arith.constant 0 : index
    %swap3A_140 = arith.constant 40 : index
    %swap3A_141 = vector.load %arg7[%swap3A_139, %swap3A_140] : memref<1280x64xf32, #tpu.memory_space<vmem>>, vector<1280x1xf32>
    tpu.vector_store %arg7[%swap3A_139, %swap3A_140], %broadcast_in_dim3A {strides = array<i32>} : memref<1280x64xf32, #tpu.memory_space<vmem>>, vector<1280x1xf32>,
    %swap3A_142 = arith.constant 0 : index
    %swap3A_143 = arith.constant 56 : index
    %swap3A_144 = vector.load %arg7[%swap3A_142, %swap3A_143] : memref<1280x64xf32, #tpu.memory_space<vmem>>, vector<1280x1xf32>
    tpu.vector_store %arg7[%swap3A_142, %swap3A_143], %broadcast_in_dim3A_90 {strides = array<i32>} : memref<1280x64xf32, #tpu.memory_space<vmem>>, vector<1280x1xf32>,
    %swap3A_145 = arith.constant 0 : index
    %swap3A_146 = arith.constant 41 : index
    %swap3A_147 = vector.load %arg7[%swap3A_145, %swap3A_146] : memref<1280x64xf32, #tpu.memory_space<vmem>>, vector<1280x1xf32>
    tpu.vector_store %arg7[%swap3A_145, %swap3A_146], %broadcast_in_dim3A {strides = array<i32>} : memref<1280x64xf32, #tpu.memory_space<vmem>>, vector<1280x1xf32>,
    %swap3A_148 = arith.constant 0 : index
    %swap3A_149 = arith.constant 57 : index
    %swap3A_150 = vector.load %arg7[%swap3A_148, %swap3A_149] : memref<1280x64xf32, #tpu.memory_space<vmem>>, vector<1280x1xf32>
    tpu.vector_store %arg7[%swap3A_148, %swap3A_149], %broadcast_in_dim3A_90 {strides = array<i32>} : memref<1280x64xf32, #tpu.memory_space<vmem>>, vector<1280x1xf32>,
    %swap3A_151 = arith.constant 0 : index
    %swap3A_152 = arith.constant 42 : index
    %swap3A_153 = vector.load %arg7[%swap3A_151, %swap3A_152] : memref<1280x64xf32, #tpu.memory_space<vmem>>, vector<1280x1xf32>
    tpu.vector_store %arg7[%swap3A_151, %swap3A_152], %broadcast_in_dim3A {strides = array<i32>} : memref<1280x64xf32, #tpu.memory_space<vmem>>, vector<1280x1xf32>,
    %swap3A_154 = arith.constant 0 : index
    %swap3A_155 = arith.constant 58 : index
    %swap3A_156 = vector.load %arg7[%swap3A_154, %swap3A_155] : memref<1280x64xf32, #tpu.memory_space<vmem>>, vector<1280x1xf32>
    tpu.vector_store %arg7[%swap3A_154, %swap3A_155], %broadcast_in_dim3A_90 {strides = array<i32>} : memref<1280x64xf32, #tpu.memory_space<vmem>>, vector<1280x1xf32>,
    %swap3A_157 = arith.constant 0 : index
    %swap3A_158 = arith.constant 43 : index
    %swap3A_159 = vector.load %arg7[%swap3A_157, %swap3A_158] : memref<1280x64xf32, #tpu.memory_space<vmem>>, vector<1280x1xf32>
    tpu.vector_store %arg7[%swap3A_157, %swap3A_158], %broadcast_in_dim3A {strides = array<i32>} : memref<1280x64xf32, #tpu.memory_space<vmem>>, vector<1280x1xf32>,
    %swap3A_160 = arith.constant 0 : index
    %swap3A_161 = arith.constant 59 : index
    %swap3A_162 = vector.load %arg7[%swap3A_160, %swap3A_161] : memref<1280x64xf32, #tpu.memory_space<vmem>>, vector<1280x1xf32>
    tpu.vector_store %arg7[%swap3A_160, %swap3A_161], %broadcast_in_dim3A_90 {strides = array<i32>} : memref<1280x64xf32, #tpu.memory_space<vmem>>, vector<1280x1xf32>,
    %swap3A_163 = arith.constant 0 : index
    %swap3A_164 = arith.constant 44 : index
    %swap3A_165 = vector.load %arg7[%swap3A_163, %swap3A_164] : memref<1280x64xf32, #tpu.memory_space<vmem>>, vector<1280x1xf32>
    tpu.vector_store %arg7[%swap3A_163, %swap3A_164], %broadcast_in_dim3A {strides = array<i32>} : memref<1280x64xf32, #tpu.memory_space<vmem>>, vector<1280x1xf32>,
    %swap3A_166 = arith.constant 0 : index
    %swap3A_167 = arith.constant 60 : index
    %swap3A_168 = vector.load %arg7[%swap3A_166, %swap3A_167] : memref<1280x64xf32, #tpu.memory_space<vmem>>, vector<1280x1xf32>
    tpu.vector_store %arg7[%swap3A_166, %swap3A_167], %broadcast_in_dim3A_90 {strides = array<i32>} : memref<1280x64xf32, #tpu.memory_space<vmem>>, vector<1280x1xf32>,
    %swap3A_169 = arith.constant 0 : index
    %swap3A_170 = arith.constant 45 : index
    %swap3A_171 = vector.load %arg7[%swap3A_169, %swap3A_170] : memref<1280x64xf32, #tpu.memory_space<vmem>>, vector<1280x1xf32>
    tpu.vector_store %arg7[%swap3A_169, %swap3A_170], %broadcast_in_dim3A {strides = array<i32>} : memref<1280x64xf32, #tpu.memory_space<vmem>>, vector<1280x1xf32>,
    %swap3A_172 = arith.constant 0 : index
    %swap3A_173 = arith.constant 61 : index
    %swap3A_174 = vector.load %arg7[%swap3A_172, %swap3A_173] : memref<1280x64xf32, #tpu.memory_space<vmem>>, vector<1280x1xf32>
    tpu.vector_store %arg7[%swap3A_172, %swap3A_173], %broadcast_in_dim3A_90 {strides = array<i32>} : memref<1280x64xf32, #tpu.memory_space<vmem>>, vector<1280x1xf32>,
    %swap3A_175 = arith.constant 0 : index
    %swap3A_176 = arith.constant 46 : index
    %swap3A_177 = vector.load %arg7[%swap3A_175, %swap3A_176] : memref<1280x64xf32, #tpu.memory_space<vmem>>, vector<1280x1xf32>
    tpu.vector_store %arg7[%swap3A_175, %swap3A_176], %broadcast_in_dim3A {strides = array<i32>} : memref<1280x64xf32, #tpu.memory_space<vmem>>, vector<1280x1xf32>,
    %swap3A_178 = arith.constant 0 : index
    %swap3A_179 = arith.constant 62 : index
    %swap3A_180 = vector.load %arg7[%swap3A_178, %swap3A_179] : memref<1280x64xf32, #tpu.memory_space<vmem>>, vector<1280x1xf32>
    tpu.vector_store %arg7[%swap3A_178, %swap3A_179], %broadcast_in_dim3A_90 {strides = array<i32>} : memref<1280x64xf32, #tpu.memory_space<vmem>>, vector<1280x1xf32>,
    %swap3A_181 = arith.constant 0 : index
    %swap3A_182 = arith.constant 47 : index
    %swap3A_183 = vector.load %arg7[%swap3A_181, %swap3A_182] : memref<1280x64xf32, #tpu.memory_space<vmem>>, vector<1280x1xf32>
    tpu.vector_store %arg7[%swap3A_181, %swap3A_182], %broadcast_in_dim3A {strides = array<i32>} : memref<1280x64xf32, #tpu.memory_space<vmem>>, vector<1280x1xf32>,
    %swap3A_184 = arith.constant 0 : index
    %swap3A_185 = arith.constant 63 : index
    %swap3A_186 = vector.load %arg7[%swap3A_184, %swap3A_185] : memref<1280x64xf32, #tpu.memory_space<vmem>>, vector<1280x1xf32>
    tpu.vector_store %arg7[%swap3A_184, %swap3A_185], %broadcast_in_dim3A_90 {strides = array<i32>} : memref<1280x64xf32, #tpu.memory_space<vmem>>, vector<1280x1xf32>,
    return
  }
  func.func @transform_0(%arg0: i32) -> (i32, i32) {
    %c0_i32 = arith.constant 0 : i32
    %c0_i32_0 = arith.constant 0 : i32
    return %arg0, %c0_i32 : i32, i32
  }
  func.func @transform_1(%arg0: i32) -> (i32, i32) {
    %c0_i32 = arith.constant 0 : i32
    %c0_i32_0 = arith.constant 0 : i32
    return %arg0, %c0_i32 : i32, i32
  }
  func.func @transform_2(%arg0: i32) -> (i32, i32) {
    %c0_i32 = arith.constant 0 : i32
    %c0_i32_0 = arith.constant 0 : i32
    %c0_i32_1 = arith.constant 0 : i32
    return %c0_i32, %c0_i32_0 : i32, i32
  }
  func.func @transform_3(%arg0: i32) -> (i32, i32) {
    %c0_i32 = arith.constant 0 : i32
    %c0_i32_0 = arith.constant 0 : i32
    %c0_i32_1 = arith.constant 0 : i32
    return %c0_i32, %c0_i32_0 : i32, i32
  }
  func.func @transform_4(%arg0: i32) -> (i32, i32) {
    %c0_i32 = arith.constant 0 : i32
    %c0_i32_0 = arith.constant 0 : i32
    %c0_i32_1 = arith.constant 0 : i32
    return %c0_i32, %c0_i32_0 : i32, i32
  }
  func.func @transform_5(%arg0: i32) -> (i32, i32) {
    %c0_i32 = arith.constant 0 : i32
    %c0_i32_0 = arith.constant 0 : i32
    %c0_i32_1 = arith.constant 0 : i32
    return %c0_i32, %c0_i32_0 : i32, i32
  }
  func.func @transform_6(%arg0: i32) -> (i32, i32) {
    %c0_i32 = arith.constant 0 : i32
    %c0_i32_0 = arith.constant 0 : i32
    return %arg0, %c0_i32 : i32, i32
  }
}

module attributes {stable_mosaic.version = 14 : i64} {
  func.func @_k3_body(%arg0: i32, %arg1: memref<1280x48xf32, #tpu.memory_space<vmem>>, %arg2: memref<1280x48xf32, #tpu.memory_space<vmem>>, %arg3: memref<1x32xf32, #tpu.memory_space<vmem>>, %arg4: memref<1280x32xf32, #tpu.memory_space<vmem>>) attributes {dimension_semantics = [#tpu.dimension_semantics<arbitrary>], iteration_bounds = array<i64: 8>, scalar_prefetch = 0 : i64, scratch_operands = 0 : i64, tpu.core_type = #tpu.core_type<tc>, window_params = [{transform_indices = @transform_0, window_bounds = array<i64: 1280, 48>}, {transform_indices = @transform_1, window_bounds = array<i64: 1280, 48>}, {pipeline_mode = #tpu.pipeline_mode<synchronous>, transform_indices = @transform_2, window_bounds = array<i64: 1, 32>}, {transform_indices = @transform_3, window_bounds = array<i64: 1280, 32>}]} {
    %get3A = arith.constant 0 : index
    %get3A_0 = arith.constant 0 : index
    %get3A_1 = vector.load %arg1[%get3A, %get3A_0] : memref<1280x48xf32, #tpu.memory_space<vmem>>, vector<1280x48xf32>
    %get3A_2 = arith.constant 0 : index
    %get3A_3 = arith.constant 0 : index
    %get3A_4 = vector.load %arg2[%get3A_2, %get3A_3] : memref<1280x48xf32, #tpu.memory_space<vmem>>, vector<1280x48xf32>
    %add3A = arith.addf %get3A_1, %get3A_4 : vector<1280x48xf32>
    %slice3A = vector.extract_strided_slice %add3A {offsets = [0, 0], sizes = [1280, 32], strides = [1, 1]} : vector<1280x48xf32> to vector<1280x32xf32>
    %slice3A_5 = vector.extract_strided_slice %add3A {offsets = [0, 32], sizes = [1280, 1], strides = [1, 1]} : vector<1280x48xf32> to vector<1280x1xf32>
    %add3A_6 = arith.constant 1.000000e-16 : f32
    %add3A_7 = vector.broadcast %add3A_6 : f32 to vector<1280x1xf32>
    %add3A_8 = arith.addf %slice3A_5, %add3A_7 : vector<1280x1xf32>
    %div3A = vector.broadcast %add3A_8 : vector<1280x1xf32> to vector<1280x32xf32>
    %div3A_9 = arith.divf %slice3A, %div3A : vector<1280x32xf32>
    %get3A_10 = arith.constant 0 : index
    %get3A_11 = arith.constant 0 : index
    %get3A_12 = vector.load %arg3[%get3A_10, %get3A_11] : memref<1x32xf32, #tpu.memory_space<vmem>>, vector<1x32xf32>
    %add3A_13 = vector.broadcast %get3A_12 : vector<1x32xf32> to vector<1280x32xf32>
    %add3A_14 = arith.addf %div3A_9, %add3A_13 : vector<1280x32xf32>
    %reduce_max3A = arith.constant dense<0xFF800000> : vector<1280xf32>
    %reduce_max3A_15 = vector.multi_reduction <maximumf>, %add3A_14, %reduce_max3A [1] : vector<1280x32xf32> to vector<1280xf32>
    %broadcast_in_dim3A = vector.shape_cast %reduce_max3A_15 : vector<1280xf32> to vector<1280x1xf32>
    %sub3A = vector.broadcast %broadcast_in_dim3A : vector<1280x1xf32> to vector<1280x32xf32>
    %sub3A_16 = arith.subf %add3A_14, %sub3A : vector<1280x32xf32>
    %exp3A = math.exp %sub3A_16 : vector<1280x32xf32>
    %reduce_sum3A = arith.constant dense<0.000000e+00> : vector<1280xf32>
    %reduce_sum3A_17 = vector.multi_reduction <add>, %exp3A, %reduce_sum3A [1] : vector<1280x32xf32> to vector<1280xf32>
    %broadcast_in_dim3A_18 = vector.shape_cast %reduce_sum3A_17 : vector<1280xf32> to vector<1280x1xf32>
    %log3A = math.log %broadcast_in_dim3A_18 : vector<1280x1xf32>
    %sub3A_19 = vector.broadcast %log3A : vector<1280x1xf32> to vector<1280x32xf32>
    %sub3A_20 = arith.subf %sub3A_16, %sub3A_19 : vector<1280x32xf32>
    %swap3A = arith.constant 0 : index
    %swap3A_21 = arith.constant 0 : index
    %swap3A_22 = vector.load %arg4[%swap3A, %swap3A_21] : memref<1280x32xf32, #tpu.memory_space<vmem>>, vector<1280x32xf32>
    tpu.vector_store %arg4[%swap3A, %swap3A_21], %sub3A_20 {strides = array<i32>} : memref<1280x32xf32, #tpu.memory_space<vmem>>, vector<1280x32xf32>,
    return
  }
  func.func @transform_0(%arg0: i32) -> (i32, i32) {
    %c0_i32 = arith.constant 0 : i32
    %c0_i32_0 = arith.constant 0 : i32
    return %arg0, %c0_i32 : i32, i32
  }
  func.func @transform_1(%arg0: i32) -> (i32, i32) {
    %c0_i32 = arith.constant 0 : i32
    %c0_i32_0 = arith.constant 0 : i32
    return %arg0, %c0_i32 : i32, i32
  }
  func.func @transform_2(%arg0: i32) -> (i32, i32) {
    %c0_i32 = arith.constant 0 : i32
    %c0_i32_0 = arith.constant 0 : i32
    %c0_i32_1 = arith.constant 0 : i32
    return %c0_i32, %c0_i32_0 : i32, i32
  }
  func.func @transform_3(%arg0: i32) -> (i32, i32) {
    %c0_i32 = arith.constant 0 : i32
    %c0_i32_0 = arith.constant 0 : i32
    return %arg0, %c0_i32 : i32, i32
  }
}

</mosaic_0001>

<sc_bundles>
// kernel: kernel.10.cloned.1.call-start
scs
__scs_entry_jumppad:
0x0: {  	(pc) =	sbr.rel $0x88, $3  }
0x1: {  	(tag) =	ssettag $0x0;
	lr =	simm.s32 $0x1  }
0x2: {  	[smem:$0x3F97] =	sst lr;
	_ =	strace $0xD0000000  }
0x3: {  	_ = 	snop  }
0x4: {  	_ = 	snop  }
0x5: {  	_ = 	snop  }
0x6: {  	_ = 	snop  }
0x7: {  	_ = 	snop  }
__scs_overlays_trampoline_lowered:
0x8: {  	[smem:$0x3FA6] =	sst s0  }
0x9: {  	[smem:$0x3FA7] =	sst s1  }
0xa: {  	[smem:$0x3FA8] =	sst s2  }
0xb: {  	[smem:$0x3FA9] =	sst s3  }
0xc: {  	[smem:$0x3FAA] =	sst s4  }
0xd: {  	[smem:$0x3FAB] =	sst s5  }
0xe: {  	[smem:$0x3FAC] =	sst s6  }
0xf: {  	[smem:$0x3FAD] =	sst s7  }
0x10: {  	[smem:$0x3FAE] =	sst s8  }
0x11: {  	[smem:$0x3FAF] =	sst s9;
	s0 =	simm.s32 @!p0 $0x0  }
0x12: {  	s1 =	sld [smem:$0x3F95];
	s0 =	simm.s32 @p0 $0x1  }
0x13: {  	[smem:$0x3FB0] =	sst s0;
	s0 =	simm.s32 @!p1 $0x0  }
0x14: {  	s2 =	sld [smem:$0x3F94];
	s0 =	simm.s32 @p1 $0x1  }
0x15: {  	[smem:$0x3FB1] =	sst s0;
	s0 =	simm.s32 @!p2 $0x0  }
0x16: {  	s3 =	sld [smem:$0x3FDB];
	s0 =	simm.s32 @p2 $0x1  }
0x17: {  	s4 =	simm.s32 $0x1BF5;
	[smem:$0x3FB3] =	sst s0  }
0x18: {  	s0 =	sld [smem:$0x3F96];
	_ =	swait.ge [sflag:s4], $0x0  }
0x19: {  	s7 =	sld [smem:$0x3F97]  }
0x1a: {  	s8 =	sadd.s32 $0xFFFFE003, lr  }
0x1b: {  	s9 =	sadd.s32 $0xFFFFFEF7, lr;
	s5 =	simm.s32 $0xFFFFFFFF;
	p2 =	slt.u32 s8, $0xFFFFF086  }
0x1c: {  	p1 =	slt.u32 s9, $0xF7A;
	s5 =	simm.s32 @!p2 $0x0  }
0x1d: {  	s5 =	simm.s32 @p1 $0x1;
	p0 =	seq.s32 s7, s2  }
0x1e: {  	s7 =	smul.u32 @!p0 $0xF7A, s2;
	p2 =	seq.s32 @!p0 s5, $0x0  }
0x1f: {  	s9 =	smul.u32 $0xF7A, s1;
	s8 =	simm.s32 @!p0 $0x1BF5;
	p2 =	por !p2, p0  }
0x20: {  	[sflag:s8] =	ssyncset.s32 @!p0 $0xFFFFF086;
	s6 =	sadd.s32 @!p0 s3, s7;
	s7 =	simm.s32 @!p0 $0x108  }
0x21: {  	s3 =	sadd.s32 s3, s9;
	s6 =	sadd.s32 @!p0 $0x88, s6;
	s7 =	simm.s32 @p2 $0x1082  }
0x22: {  	[simem:s7], [sflag:s8] =	dma.local @!p0 [hbm:s6], $0xF7A  }
0x23: {  	s9 =	sor.u32 $0xD0000000, s2;
	s6 =	simm.s32 $0x108;
	_ =	swait.ge @!p0 [sflag:s8], $0x0  }
0x24: {  	s3 =	sadd.s32 $0x88, s3;
	s6 =	simm.s32 @!p1 $0x1082;
	[sflag:s4] =	ssyncset.s32 $0xFFFFF086  }
0x25: {  	[simem:s6], [sflag:s4] =	dma.local [hbm:s3], $0xF7A  }
0x26: {  	[smem:$0x3F97] =	sst s1;
	(tag) =	ssettag s2;
	_ =	strace s9  }
0x27: {  	s1 =	sld [smem:$0x3FA7]  }
0x28: {  	s2 =	sld [smem:$0x3FA8]  }
0x29: {  	s4 =	sld [smem:$0x3FAA]  }
0x2a: {  	p0 =	seq.s32 s5, $0x0;
	s5 =	sld [smem:$0x3FAB]  }
0x2b: {  	s6 =	sld [smem:$0x3FAC]  }
0x2c: {  	s7 =	sld [smem:$0x3FAD]  }
0x2d: {  	s3 =	simm.s32 $0x108;
	s8 =	sld [smem:$0x3FAE]  }
0x2e: {  	s3 =	simm.s32 @!p0 $0x1082;
	s9 =	sld [smem:$0x3FAF]  }
0x2f: {  	lr =	sadd.s32 s0, s3;
	s0 =	sld [smem:$0x3FA6]  }
0x30: {  	s3 =	sld [smem:$0x3FA9]  }
0x31: {  	[smem:$0x3FB2] =	sst s10  }
0x32: {  	s10 =	sld [smem:$0x3FB0];
	_ =	sdelay $0x3  }
0x33: {  	p0 =	seq.s32 s10, $0x1;
	s10 =	sld [smem:$0x3FB2];
	_ =	sdelay $0x3  }
0x34: {  	[smem:$0x3FB2] =	sst s10  }
0x35: {  	s10 =	sld [smem:$0x3FB1];
	_ =	sdelay $0x3  }
0x36: {  	p1 =	seq.s32 s10, $0x1;
	s10 =	sld [smem:$0x3FB2];
	_ =	sdelay $0x3  }
0x37: {  	[smem:$0x3FB2] =	sst s10  }
0x38: {  	s10 =	sld [smem:$0x3FB3]  }
0x39: {  	_ = 	snop;
	(pc) =	sbr.ind lr, $3  }
0x3a: {  	_ = 	snop  }
0x3b: {  	_ = 	snop  }
0x3c: {  	p2 =	seq.s32 s10, $0x1;
	s10 =	sld [smem:$0x3FB2]  }
0x3d: {  	_ =	shalt  }
0x3e: {  	_ =	shalt  }
0x3f: {  	_ =	shalt  }
0x40: {  	_ =	shalt  }
0x41: {  	_ =	shalt  }
0x42: {  	_ =	shalt  }
0x43: {  	_ =	shalt  }
0x44: {  	_ =	shalt  }
0x45: {  	_ =	shalt  }
0x46: {  	_ =	shalt  }
0x47: {  	_ =	shalt  }
0x48: {  	_ =	shalt  }
0x49: {  	_ =	shalt  }
0x4a: {  	_ =	shalt  }
0x4b: {  	_ =	shalt  }
0x4c: {  	_ =	shalt  }
0x4d: {  	_ =	shalt  }
0x4e: {  	_ =	shalt  }
0x4f: {  	_ =	shalt  }
0x50: {  	_ =	shalt  }
0x51: {  	_ =	shalt  }
0x52: {  	_ =	shalt  }
0x53: {  	_ =	shalt  }
0x54: {  	_ =	shalt  }
0x55: {  	_ =	shalt  }
0x56: {  	_ =	shalt  }
0x57: {  	_ =	shalt  }
0x58: {  	_ =	shalt  }
0x59: {  	_ =	shalt  }
0x5a: {  	_ =	shalt  }
0x5b: {  	_ =	shalt  }
0x5c: {  	_ =	shalt  }
0x5d: {  	_ =	shalt  }
0x5e: {  	_ =	shalt  }
0x5f: {  	_ =	shalt  }
0x60: {  	_ =	shalt  }
0x61: {  	_ =	shalt  }
0x62: {  	_ =	shalt  }
0x63: {  	_ =	shalt  }
0x64: {  	_ =	shalt  }
0x65: {  	_ =	shalt  }
0x66: {  	_ =	shalt  }
0x67: {  	_ =	shalt  }
0x68: {  	_ =	shalt  }
0x69: {  	_ =	shalt  }
0x6a: {  	_ =	shalt  }
0x6b: {  	_ =	shalt  }
0x6c: {  	_ =	shalt  }
0x6d: {  	_ =	shalt  }
0x6e: {  	_ =	shalt  }
0x6f: {  	_ =	shalt  }
0x70: {  	_ =	shalt  }
0x71: {  	_ =	shalt  }
0x72: {  	_ =	shalt  }
0x73: {  	_ =	shalt  }
0x74: {  	_ =	shalt  }
0x75: {  	_ =	shalt  }
0x76: {  	_ =	shalt  }
0x77: {  	_ =	shalt  }
0x78: {  	_ =	shalt  }
0x79: {  	_ =	shalt  }
0x7a: {  	_ =	shalt  }
0x7b: {  	_ =	shalt  }
0x7c: {  	_ =	shalt  }
0x7d: {  	_ =	shalt  }
0x7e: {  	_ =	shalt  }
0x7f: {  	_ =	shalt  }
0x80: {  	_ =	shalt  }
0x81: {  	_ =	shalt  }
0x82: {  	_ =	shalt  }
0x83: {  	_ =	shalt  }
0x84: {  	_ =	shalt  }
0x85: {  	_ =	shalt  }
0x86: {  	_ =	shalt  }
0x87: {  	_ =	shalt  }
.Lfunc_end0:
.L_simem_size_0:
called_computation.1_lowered:
.L_overlay_start_0:
0x88: {  	s2 =	sld [smem:$0x3FD9]  }
0x89: {  	s3 =	sld [smem:$0x3FFE];
	_ =	sdelay $0x1  }
0x8a: {  	s1 =	srdreg.scid  }
0x8b: {  	s0 =	sand.u32 $0x1, s1  }
0x8c: {  	s17 =	sshll.u32 s0, $0xA;
	s2 =	sadd.s32 s3, s2  }
0x8d: {  	s2 =	sadd.s32 s2, s17  }
0x8e: {  	[smem:$0x3FBE] =	sst s2  }
0x8f: {  	_ = 	snop  }
0x90: {  	s2 =	sld [smem:$0x3FD0];
	(tm) =	ssettm $0x1  }
0x91: {  	s18 =	sld [smem:$0x3FFB];
	_ =	sdelay $0x3  }
0x92: {  	_ =	strace s18  }
0x93: {  	s3 =	sld [smem:$0x3FFC];
	_ =	sdelay $0x3  }
0x94: {  	_ =	strace s3  }
0x95: {  	s3 =	sld [smem:$0x3FFD];
	_ =	sdelay $0x3  }
0x96: {  	_ =	strace s3  }
0x97: {  	_ =	strace $0x8FFFFFFF  }
0x98: {  	s19 =	sld [smem:$0x3FDB];
	_ =	sdelay $0x1  }
0x99: {  	s4 =	simm.s32 $_scs_section_size  }
0x9a: {  	s5 =	simm.s32 $_size__tile_overlayer_lowered;
	s6 =	simm.s32 $_tile_overlayer_lowered  }
0x9b: {  	s22 =	simm.s32 $0x1BFF;
	s21 =	sshll.u32 s6, $0x1;
	s3 =	sadd.s32 s4, s19  }
0x9c: {  	s7 =	simm.s32 $0x0;
	s20 =	sshll.u32 s5, $0x1;
	s5 =	sadd.s32 s21, s3  }
0x9d: {  	[timem:s7], [sflag:s22] =	dma.local [hbm:s5], s20  }
0x9e: {  	_ =	swait.ge [sflag:s22], s20  }
0x9f: {  	s4 =	ssub.s32 $0x0, s20;
	[sflag:s22] =	ssyncset.done $0x0  }
0xa0: {  	[sflag:s22] =	ssyncadd.s32 s4;
	_ =	sdelay $0x1  }
0xa1: {  	s23 =	simm.s32 $0x1B8B  }
0xa2: {  	_ =	swait.ge [sflag:s23], $0x1  }
0xa3: {  	[sflag:s23] =	ssyncset.done $0x0  }
0xa4: {  	s25 =	simm.s32 $0x1B8E;
	s24 =	sld [smem:$0x3FFE];
	[sflag:s23] =	ssyncadd.s32 $0xFFFFFFFF  }
0xa5: {  	s26 =	simm.s32 $execute0_lowered;
	[smem:$0x3FD2] =	sst s25  }
0xa6: {  	s5 =	sshll.u32 s26, $0x1;
	_ =	strace $0x80000049;
	[dreg:$0x1] =	wrdreg $0xFFFFFFFF  }
0xa7: {  	s28 =	simm.s32 $_size_execute0_lowered;
	s3 =	sadd.s32 s3, s5;
	[dreg:$0x0] =	wrdreg $0x0  }
0xa8: {  	s5 =	sshll.u32 s28, $0x1;
	[dreg:$0x2] =	wrdreg s3  }
0xa9: {  	[dreg:$0x3] =	wrdreg s5  }
0xaa: {  	[dreg:$0x4] =	wrdreg $0xC0  }
0xab: {  	_ =	task [dreg:s7], $0x5FFFF  }
0xac: {  	[dreg:$0x1] =	wrdreg $0xFFFFFFFF  }
0xad: {  	[dreg:$0x0] =	wrdreg $0x60  }
0xae: {  	[dreg:$0x2] =	wrdreg s24  }
0xaf: {  	[dreg:$0x3] =	wrdreg s2  }
0xb0: {  	[dreg:$0x4] =	wrdreg $0x51000  }
0xb1: {  	[dreg:$0x5] =	wrdreg $0x9  }
0xb2: {  	_ =	task.clear_ibuf [dreg:s7], $0x6FFFF;
	_ =	strace $0x90000049  }
0xb3: {  	s29 =	simm.s32 $0x9;
	_ =	strace $0x8000004B  }
0xb4: {  	_ =	swait.ge [sflag:s29], $0x1  }
0xb5: {  	[sflag:s29] =	ssyncadd.s32 $0xFFFFFFFF  }
0xb6: {  	_ =	strace $0x9000004B  }
0xb7: {  	_ =	sfence  }
0xb8: {  	s30 =	sld [smem:$0x0];
	_ =	sdelay $0x2  }
0xb9: {  	s31 =	sshll.u32 s1, $0xD;
	s1 =	sshrl.u32 s1, $0x2  }
0xba: {  	s3 =	sand.u32 $0x4000, s31;
	s1 =	sadd.s32 s1, s30  }
0xbb: {  	s0 =	sor.u32 s3, s0;
	s1 =	sshll.u32 s1, $0x11  }
0xbc: {  	s0 =	sor.u32 s1, s0  }
0xbd: {  	s0 =	sadd.s32 $0x8F2B, s0  }
0xbe: {  	[sflag:s0] =	ssyncadd.remote.s32 $0x1  }
0xbf: {  	_ =	sfence.sel $0xFFFF  }
0xc0: {  	[dreg:$0x0] =	wrdreg $0xFFFFFFFF;
	(pc) =	sbr.abs _section_cstart, $3  }
0xc1: {  	[dreg:$0x1] =	wrdreg $0xFFFFFFFF  }
0xc2: {  	_ =	task.clear_ibuf [dreg:s7], $0x2FFFF;
	_ =	strace $0x9FFFFFFF  }
0xc3: {  	(tm) =	ssettm $0x7FFFFFFF  }
tec
execute0_lowered:
.L_overlay_start_1:
0x0: {  	(tag) =	ssettag $0x1  }
0x1: {  	s8 =	rddreg [dreg:$0x0]  }
0x2: {  	s2 =	rddreg [dreg:$0x1]  }
0x3: {  	s3 =	rddreg [dreg:$0x2]  }
0x4: {  	s0 =	rddreg [dreg:$0x3]  }
0x5: {  	s5 =	srdreg.scid;
	s1 =	stileid.u32  }
0x6: {  	s4 =	simm.s32 $0x0;
	s16 =	simm.s32 $0x3900;
	s17 =	simm.s32 $0x3  }
0x7: {  	s18 =	simm.s32 $0x80;
	s19 =	simm.s32 $0x100;
	s20 =	simm.s32 $0x1  }
0x8: {  	s21 =	simm.s32 $0x2;
	s22 =	simm.s32 $0x2100;
	s23 =	simm.s32 $0x0  }
0x9: {  	s9 =	sand.u32 $0x1, s5;
	s10 =	smul.u32 $0x7800, s1;
	[smem:$0x7FF] =	sst s4  }
0xa: {  	s5 =	sadd.s32 $0x15600, s8;
	s6 =	sadd.s32 $0xB600, s8;
	s13 =	smul.u32 $0x1E000, s1  }
0xb: {  	s7 =	smul.u32 $0x78000, s9;
	_ =	strace $0x8000004A;
	s12 =	ssub.s32 $0x2, s9  }
0xc: {  	s28 =	sshll.u32 s9, $0x4;
	s26 =	sshrl.u32 s12, $0x1;
	s29 =	sshrl.u32 s13, $0x2  }
0xd: {  	s30 =	sor.u32 s1, s28;
	s7 =	sadd.s32 s10, s7;
	s15 =	ssub.s32 s12, s26  }
0xe: {  	s31 =	sadd.s32 s29, s3;
	s13 =	smul.u32 $0x50, s30;
	s11 =	sshrl.u32 s7, $0x3  }
0xf: {  	s7 =	sadd.s32 $0x1600, s8;
	s9 =	sadd.s32 $0x1800, s31;
	s12 =	sadd.s32 $0x6000, s31  }
0x10: {  	s15 =	smax.u32 s15, $0x1;
	s14 =	sadd.s32 s11, s8;
	s8 =	sadd.s32 s10, s3  }
0x11: {  	v0 =	vimm.f32 $0.0e+00;
	s10 =	sadd.s32 $0x3000, s31;
	s11 =	sadd.s32 $0x4800, s31;
	s14 =	sadd.s32 $0x24600, s14  }
.LBB2_1:
0x12: {  	s24 =	smul.u32 $0xAAAB, s4;
	_ =	sdelay $0x1  }
0x13: {  	s25 =	sshrl.u32 s24, $0x11  }
0x14: {  	s26 =	simm.s32 $0x0;
	s24 =	simm.s32 $0x1;
	s28 =	smul.u32 $0x3, s25  }
.LBB2_2:
0x15: {  	s29 =	smul.u32 $0xAAAB, s24  }
0x16: {  	s30 =	smov.u32 s24;
	s25 =	smul.u32 $0xC0, s25;
	p0 =	sne.s32 s24, $0x17F  }
.Ltmp0:
0x17: {  	s26 =	ssub.s32 s26, s28;
	(pc) =	sbr.rel @p0 .LBB2_2-.Ltmp0, $4  }
0x18: {  	s24 =	sadd.s32 $0x1, s24;
	s26 =	sand.u32 $0xFFFF, s26  }
0x19: {  	s28 =	sshrl.u32 s25, $0x2;
	s31 =	sshll.u32 s26, $0x4;
	s26 =	smov.u32 s30  }
0x1a: {  	s25 =	sshrl.u32 s29, $0x11;
	s29 =	sadd.s32 s31, s28  }
0x1b: {  	s28 =	smul.u32 $0x3, s25;
	[tilespmem:s29+$0x3900] =	vst v0  }
0x1c: {  	_ = 	snop  }
0x1d: {  	s25 =	smul.u32 $0xC0, s25;
	s24 =	ssub.s32 s26, s28  }
0x1e: {  	s24 =	sand.u32 $0xFFFF, s24  }
0x1f: {  	s25 =	sshrl.u32 s25, $0x2;
	s24 =	sshll.u32 s24, $0x4  }
0x20: {  	s24 =	sadd.s32 s24, s25  }
0x21: {  	[tilespmem:s24+$0x3900] =	vst v0  }
0x22: {  	[spmem:s8] =	stream.linear.scatter [tilespmem:s16], [sflag:$0x3], $0x1800, $0x38;
	[tilespmem:$0xC900] =	vst v63  }
0x23: {  	_ =	swait.ge [sflag:s17], $0x1800  }
0x24: {  	[sflag:s17] =	ssyncset.done $0x0  }
0x25: {  	[sflag:s17] =	ssyncadd.s32 $0xFFFFE800  }
0x26: {  	[spmem:s9] =	stream.linear.scatter [tilespmem:s16], [sflag:$0x3], $0x1800, $0x38;
	[tilespmem:$0xC900] =	vst v63  }
0x27: {  	_ =	swait.ge [sflag:s17], $0x1800  }
0x28: {  	[sflag:s17] =	ssyncset.done $0x0  }
0x29: {  	[sflag:s17] =	ssyncadd.s32 $0xFFFFE800  }
0x2a: {  	[spmem:s10] =	stream.linear.scatter [tilespmem:s16], [sflag:$0x3], $0x1800, $0x38;
	[tilespmem:$0xC900] =	vst v63  }
0x2b: {  	_ =	swait.ge [sflag:s17], $0x1800  }
0x2c: {  	[sflag:s17] =	ssyncset.done $0x0  }
0x2d: {  	[sflag:s17] =	ssyncadd.s32 $0xFFFFE800  }
0x2e: {  	[spmem:s11] =	stream.linear.scatter [tilespmem:s16], [sflag:$0x3], $0x1800, $0x38;
	[tilespmem:$0xC900] =	vst v63  }
0x2f: {  	_ =	swait.ge [sflag:s17], $0x1800  }
0x30: {  	[sflag:s17] =	ssyncset.done $0x0  }
0x31: {  	[sflag:s17] =	ssyncadd.s32 $0xFFFFE800  }
0x32: {  	[spmem:s12] =	stream.linear.scatter [tilespmem:s16], [sflag:$0x3], $0x1800, $0x38;
	[tilespmem:$0xC900] =	vst v63  }
0x33: {  	_ =	swait.ge [sflag:s17], $0x1800  }
0x34: {  	[sflag:s17] =	ssyncset.done $0x0  }
0x35: {  	[sflag:s17] =	ssyncadd.s32 $0xFFFFE800  }
0x36: {  	s25 =	simm.s32 $0x0;
	s24 =	simm.s32 $0x0;
	[bflag:$0x0] =	sbarrier.arrive $0xFFFF  }
.LBB2_4:
0x37: {  	s26 =	sadd.s32 s13, s25  }
0x38: {  	s26 =	sshll.u32 s26, $0x4  }
0x39: {  	s28 =	sadd.s32 s6, s26  }
0x3a: {  	[tilespmem:s24], [sflag:$0x3] =	stream.linear.gather [hbm4b:s28+s24], $0x80, $0x38;
	[tilespmem:$0xC900] =	vst v63  }
0x3b: {  	_ =	swait.ge [sflag:s17], $0x80  }
0x3c: {  	[sflag:s17] =	ssyncset.done $0x0  }
0x3d: {  	s26 =	sadd.s32 s7, s26;
	[sflag:s17] =	ssyncadd.s32 $0xFFFFFF80  }
0x3e: {  	[tilespmem:s18], [sflag:$0x3] =	stream.linear.gather [hbm4b:s26+s24], $0x80, $0x38;
	[tilespmem:$0xC900] =	vst v63  }
0x3f: {  	_ =	swait.ge [sflag:s17], $0x80  }
0x40: {  	[sflag:s17] =	ssyncset.done $0x0  }
0x41: {  	[sflag:s17] =	ssyncadd.s32 $0xFFFFFF80  }
0x42: {  	[tilespmem:s19], [sflag:$0x1] =	stream.indirect.gather [hbm4b:s5+s18], $0x30, s24, s18, $0xb8;
	[tilespmem:$0xC900] =	vst v63  }
0x43: {  	s28 =	simm.s32 $0x1900  }
0x44: {  	[tilespmem:s28], [sflag:$0x2] =	stream.indirect.gather [hbm4b:s2+s18], $0x10, s18, s18, $0xb8;
	[tilespmem:$0xC900] =	vst v63  }
0x45: {  	_ =	swait.ge [sflag:s20], $0x1800  }
0x46: {  	[sflag:s20] =	ssyncset.done $0x0  }
0x47: {  	[sflag:s20] =	ssyncadd.s32 $0xFFFFE800  }
0x48: {  	_ =	swait.ge [sflag:s21], $0x800  }
0x49: {  	[sflag:s21] =	ssyncset.done $0x0  }
0x4a: {  	s26 =	simm.s32 $0x0;
	[sflag:s21] =	ssyncadd.s32 $0xFFFFF800  }
0x4b: {  	s29 =	simm.s32 $0xC0;
	v1 =	vld [tilespmem:s26+$0x120]  }
.LBB2_5:
0x4c: {  	p0 =	sne.s32 s29, $0x5F40;
	v2 =	vld [tilespmem:s28+$0x0];
	_ =	sdelay $0x4  }
0x4d: {  	v1 =	vadd.f32 v2, v1;
	_ =	sdelay $0x1  }
0x4e: {  	v2 =	vmul.f32 $2.800000010e-01, v1  }
0x4f: {  	vm0 =	vge.f32 v1, $0.0e+00  }
0x50: {  	v1 =	vsel vm0, v1, v2  }
0x51: {  	v1 =	vmul.f32 $1.442695020e+00, v1;
	_ =	sdelay $0x1  }
0x52: {  	(erf) = vpow2.f32 v1;
	_ =	sdelay $0x3  }
0x53: {  	v1 =	vld [tilespmem:s26+$0x100]  }
0x54: {  	v2 =	vld [tilespmem:s26+$0x110];
	_ =	sdelay $0x3  }
.Ltmp1:
0x55: {  	v3 =	vpop (erf);
	(pc) =	sbr.rel @p0 .LBB2_5-.Ltmp1, $3  }
0x56: {  	[tilespmem:s26+$0x2120] =	vst v3;
	v1 =	vmul.f32 v3, v1;
	v2 =	vmul.f32 v3, v2;
	_ =	sdelay $0x1  }
0x57: {  	s30 =	sshra.s32 s29, $0x2;
	[tilespmem:s26+$0x2100] =	vst v1  }
0x58: {  	s29 =	sadd.s32 $0xC0, s29;
	s28 =	sadd.s32 $0x10, s28;
	v1 =	vld [tilespmem:s30+$0x120];
	[tilespmem:s26+$0x2110] =	vst v2;
	s26 =	smov.u32 s30  }
0x59: {  	v2 =	vld [tilespmem:s28+$0x0];
	_ =	sdelay $0x4  }
0x5a: {  	v1 =	vadd.f32 v2, v1;
	_ =	sdelay $0x1  }
0x5b: {  	v2 =	vmul.f32 $2.800000010e-01, v1  }
0x5c: {  	vm0 =	vge.f32 v1, $0.0e+00  }
0x5d: {  	v1 =	vsel vm0, v1, v2  }
0x5e: {  	v1 =	vmul.f32 $1.442695020e+00, v1;
	_ =	sdelay $0x1  }
0x5f: {  	(erf) = vpow2.f32 v1;
	_ =	sdelay $0x4  }
0x60: {  	v1 =	vld [tilespmem:s26+$0x100]  }
0x61: {  	v2 =	vld [tilespmem:s26+$0x110];
	_ =	sdelay $0x2  }
0x62: {  	v3 =	vpop (erf)  }
0x63: {  	v1 =	vmul.f32 v3, v1  }
0x64: {  	s25 =	sadd.s32 $0x1, s25;
	[tilespmem:s26+$0x2120] =	vst v3;
	v2 =	vmul.f32 v3, v2  }
0x65: {  	p0 =	sne.s32 s25, $0x50;
	[tilespmem:s26+$0x2100] =	vst v1  }
.Ltmp2:
0x66: {  	[tilespmem:s26+$0x2110] =	vst v2;
	(pc) =	sbr.rel @p0 .LBB2_4-.Ltmp2, $4  }
0x67: {  	[spmem:s3] =	stream.indirect.scatter.add.f32 [tilespmem:s22], [sflag:$0x3], $0x30, s18, s18, $0xb8;
	[tilespmem:$0xC900] =	vst v63  }
0x68: {  	_ =	swait.ge [sflag:s17], $0x1800  }
0x69: {  	[sflag:s17] =	ssyncset.done $0x0  }
0x6a: {  	[sflag:s17] =	ssyncadd.s32 $0xFFFFE800  }
0x6b: {  	s23 =	sadd.s32 $0x1, s23  }
0x6c: {  	s24 =	sshll.u32 s1, $0x6;
	[bflag:$0x0] =	sbarrier.arrive $0xFFFF;
	p0 =	sne.s32 s23, s15  }
.Ltmp3:
0x6d: {  	s25 =	sshrl.u32 s8, $0x3;
	s24 =	sor.u32 $0x1C03, s24;
	(pc) =	sbr.rel @p0 .LBB2_1-.Ltmp3, $4  }
0x6e: {  	[hbm:s14], [sflag:s24] =	dma.local [spmem:s25], $0xF00  }
0x6f: {  	_ =	swait.ge [sflag:s17], $0xF00  }
0x70: {  	[sflag:s17] =	ssyncset.done $0x0  }
0x71: {  	[sflag:s17] =	ssyncadd.s32 $0xFFFFF100  }
0x72: {  	_ =	sfence.sel $0x180000  }
0x73: {  	[bflag:$0x0] =	sbarrier.arrive $0xFFFF  }
0x74: {  	p0 =	sne.s32 s1, $0x0;
	_ =	strace $0x9000004A  }
0x75: {  	s0 =	sadd.s32 @!p0 $0x100000, s0;
	[bflag:$0x2] =	sbarrier.arrive $0xFFFF  }
0x76: {  	[sflag:s0] =	ssyncadd.tile.s32 @!p0 $0x1;
	_ =	shalt  }
.Lfunc_end2:
_tile_overlayer_lowered:
.L_overlay_start_2:
0x77: {  	(tag) =	ssettag $0x2  }
0x78: {  	s0 =	rddreg [dreg:$0x0];
	s2 =	stileid.u32  }
0x79: {  	s1 =	rddreg [dreg:$0x1];
	p0 =	sne.s32 s2, $0x0  }
0x7a: {  	s3 =	rddreg [dreg:$0x2];
	[bflag:$0x3] =	sbarrier.arrive $0xFFFF;
	s2 =	simm.s32 @!p0 $0x1C03  }
0x7b: {  	[timem:s3], [sflag:s2] =	dma.local @!p0 [hbm:s0], s1  }
0x7c: {  	s0 =	simm.s32 @!p0 $0x3  }
0x7d: {  	_ =	swait.ge @!p0 [sflag:s0], s1  }
0x7e: {  	s1 =	ssub.s32 @!p0 $0x0, s1;
	[sflag:s0] =	ssyncset.done @!p0 $0x0  }
0x7f: {  	[sflag:s0] =	ssyncadd.s32 @!p0 s1  }
0x80: {  	[bflag:$0x3] =	sbarrier.arrive $0xFFFF  }
0x81: {  	_ =	shalt  }

// kernel: kernel.7.cloned.1.call-start
scs
__scs_entry_jumppad:
0x0: {  	(pc) =	sbr.rel $0x88, $3  }
0x1: {  	(tag) =	ssettag $0x0;
	lr =	simm.s32 $0x1  }
0x2: {  	[smem:$0x3F97] =	sst lr;
	_ =	strace $0xD0000000  }
0x3: {  	_ = 	snop  }
0x4: {  	_ = 	snop  }
0x5: {  	_ = 	snop  }
0x6: {  	_ = 	snop  }
0x7: {  	_ = 	snop  }
__scs_overlays_trampoline_lowered:
0x8: {  	[smem:$0x3FA6] =	sst s0  }
0x9: {  	[smem:$0x3FA7] =	sst s1  }
0xa: {  	[smem:$0x3FA8] =	sst s2  }
0xb: {  	[smem:$0x3FA9] =	sst s3  }
0xc: {  	[smem:$0x3FAA] =	sst s4  }
0xd: {  	[smem:$0x3FAB] =	sst s5  }
0xe: {  	[smem:$0x3FAC] =	sst s6  }
0xf: {  	[smem:$0x3FAD] =	sst s7  }
0x10: {  	[smem:$0x3FAE] =	sst s8  }
0x11: {  	[smem:$0x3FAF] =	sst s9;
	s0 =	simm.s32 @!p0 $0x0  }
0x12: {  	s1 =	sld [smem:$0x3F95];
	s0 =	simm.s32 @p0 $0x1  }
0x13: {  	[smem:$0x3FB0] =	sst s0;
	s0 =	simm.s32 @!p1 $0x0  }
0x14: {  	s2 =	sld [smem:$0x3F94];
	s0 =	simm.s32 @p1 $0x1  }
0x15: {  	[smem:$0x3FB1] =	sst s0;
	s0 =	simm.s32 @!p2 $0x0  }
0x16: {  	s3 =	sld [smem:$0x3FDB];
	s0 =	simm.s32 @p2 $0x1  }
0x17: {  	s4 =	simm.s32 $0x1BF5;
	[smem:$0x3FB3] =	sst s0  }
0x18: {  	s0 =	sld [smem:$0x3F96];
	_ =	swait.ge [sflag:s4], $0x0  }
0x19: {  	s7 =	sld [smem:$0x3F97]  }
0x1a: {  	s8 =	sadd.s32 $0xFFFFE003, lr  }
0x1b: {  	s9 =	sadd.s32 $0xFFFFFEF7, lr;
	s5 =	simm.s32 $0xFFFFFFFF;
	p2 =	slt.u32 s8, $0xFFFFF086  }
0x1c: {  	p1 =	slt.u32 s9, $0xF7A;
	s5 =	simm.s32 @!p2 $0x0  }
0x1d: {  	s5 =	simm.s32 @p1 $0x1;
	p0 =	seq.s32 s7, s2  }
0x1e: {  	s7 =	smul.u32 @!p0 $0xF7A, s2;
	p2 =	seq.s32 @!p0 s5, $0x0  }
0x1f: {  	s9 =	smul.u32 $0xF7A, s1;
	s8 =	simm.s32 @!p0 $0x1BF5;
	p2 =	por !p2, p0  }
0x20: {  	[sflag:s8] =	ssyncset.s32 @!p0 $0xFFFFF086;
	s6 =	sadd.s32 @!p0 s3, s7;
	s7 =	simm.s32 @!p0 $0x108  }
0x21: {  	s3 =	sadd.s32 s3, s9;
	s6 =	sadd.s32 @!p0 $0x88, s6;
	s7 =	simm.s32 @p2 $0x1082  }
0x22: {  	[simem:s7], [sflag:s8] =	dma.local @!p0 [hbm:s6], $0xF7A  }
0x23: {  	s9 =	sor.u32 $0xD0000000, s2;
	s6 =	simm.s32 $0x108;
	_ =	swait.ge @!p0 [sflag:s8], $0x0  }
0x24: {  	s3 =	sadd.s32 $0x88, s3;
	s6 =	simm.s32 @!p1 $0x1082;
	[sflag:s4] =	ssyncset.s32 $0xFFFFF086  }
0x25: {  	[simem:s6], [sflag:s4] =	dma.local [hbm:s3], $0xF7A  }
0x26: {  	[smem:$0x3F97] =	sst s1;
	(tag) =	ssettag s2;
	_ =	strace s9  }
0x27: {  	s1 =	sld [smem:$0x3FA7]  }
0x28: {  	s2 =	sld [smem:$0x3FA8]  }
0x29: {  	s4 =	sld [smem:$0x3FAA]  }
0x2a: {  	p0 =	seq.s32 s5, $0x0;
	s5 =	sld [smem:$0x3FAB]  }
0x2b: {  	s6 =	sld [smem:$0x3FAC]  }
0x2c: {  	s7 =	sld [smem:$0x3FAD]  }
0x2d: {  	s3 =	simm.s32 $0x108;
	s8 =	sld [smem:$0x3FAE]  }
0x2e: {  	s3 =	simm.s32 @!p0 $0x1082;
	s9 =	sld [smem:$0x3FAF]  }
0x2f: {  	lr =	sadd.s32 s0, s3;
	s0 =	sld [smem:$0x3FA6]  }
0x30: {  	s3 =	sld [smem:$0x3FA9]  }
0x31: {  	[smem:$0x3FB2] =	sst s10  }
0x32: {  	s10 =	sld [smem:$0x3FB0];
	_ =	sdelay $0x3  }
0x33: {  	p0 =	seq.s32 s10, $0x1;
	s10 =	sld [smem:$0x3FB2];
	_ =	sdelay $0x3  }
0x34: {  	[smem:$0x3FB2] =	sst s10  }
0x35: {  	s10 =	sld [smem:$0x3FB1];
	_ =	sdelay $0x3  }
0x36: {  	p1 =	seq.s32 s10, $0x1;
	s10 =	sld [smem:$0x3FB2];
	_ =	sdelay $0x3  }
0x37: {  	[smem:$0x3FB2] =	sst s10  }
0x38: {  	s10 =	sld [smem:$0x3FB3]  }
0x39: {  	_ = 	snop;
	(pc) =	sbr.ind lr, $3  }
0x3a: {  	_ = 	snop  }
0x3b: {  	_ = 	snop  }
0x3c: {  	p2 =	seq.s32 s10, $0x1;
	s10 =	sld [smem:$0x3FB2]  }
0x3d: {  	_ =	shalt  }
0x3e: {  	_ =	shalt  }
0x3f: {  	_ =	shalt  }
0x40: {  	_ =	shalt  }
0x41: {  	_ =	shalt  }
0x42: {  	_ =	shalt  }
0x43: {  	_ =	shalt  }
0x44: {  	_ =	shalt  }
0x45: {  	_ =	shalt  }
0x46: {  	_ =	shalt  }
0x47: {  	_ =	shalt  }
0x48: {  	_ =	shalt  }
0x49: {  	_ =	shalt  }
0x4a: {  	_ =	shalt  }
0x4b: {  	_ =	shalt  }
0x4c: {  	_ =	shalt  }
0x4d: {  	_ =	shalt  }
0x4e: {  	_ =	shalt  }
0x4f: {  	_ =	shalt  }
0x50: {  	_ =	shalt  }
0x51: {  	_ =	shalt  }
0x52: {  	_ =	shalt  }
0x53: {  	_ =	shalt  }
0x54: {  	_ =	shalt  }
0x55: {  	_ =	shalt  }
0x56: {  	_ =	shalt  }
0x57: {  	_ =	shalt  }
0x58: {  	_ =	shalt  }
0x59: {  	_ =	shalt  }
0x5a: {  	_ =	shalt  }
0x5b: {  	_ =	shalt  }
0x5c: {  	_ =	shalt  }
0x5d: {  	_ =	shalt  }
0x5e: {  	_ =	shalt  }
0x5f: {  	_ =	shalt  }
0x60: {  	_ =	shalt  }
0x61: {  	_ =	shalt  }
0x62: {  	_ =	shalt  }
0x63: {  	_ =	shalt  }
0x64: {  	_ =	shalt  }
0x65: {  	_ =	shalt  }
0x66: {  	_ =	shalt  }
0x67: {  	_ =	shalt  }
0x68: {  	_ =	shalt  }
0x69: {  	_ =	shalt  }
0x6a: {  	_ =	shalt  }
0x6b: {  	_ =	shalt  }
0x6c: {  	_ =	shalt  }
0x6d: {  	_ =	shalt  }
0x6e: {  	_ =	shalt  }
0x6f: {  	_ =	shalt  }
0x70: {  	_ =	shalt  }
0x71: {  	_ =	shalt  }
0x72: {  	_ =	shalt  }
0x73: {  	_ =	shalt  }
0x74: {  	_ =	shalt  }
0x75: {  	_ =	shalt  }
0x76: {  	_ =	shalt  }
0x77: {  	_ =	shalt  }
0x78: {  	_ =	shalt  }
0x79: {  	_ =	shalt  }
0x7a: {  	_ =	shalt  }
0x7b: {  	_ =	shalt  }
0x7c: {  	_ =	shalt  }
0x7d: {  	_ =	shalt  }
0x7e: {  	_ =	shalt  }
0x7f: {  	_ =	shalt  }
0x80: {  	_ =	shalt  }
0x81: {  	_ =	shalt  }
0x82: {  	_ =	shalt  }
0x83: {  	_ =	shalt  }
0x84: {  	_ =	shalt  }
0x85: {  	_ =	shalt  }
0x86: {  	_ =	shalt  }
0x87: {  	_ =	shalt  }
.Lfunc_end0:
.L_simem_size_0:
called_computation_lowered:
.L_overlay_start_0:
0x88: {  	s2 =	sld [smem:$0x3FD9]  }
0x89: {  	s3 =	sld [smem:$0x3FFE];
	_ =	sdelay $0x1  }
0x8a: {  	s1 =	srdreg.scid  }
0x8b: {  	s0 =	sand.u32 $0x1, s1  }
0x8c: {  	s17 =	sshll.u32 s0, $0xA;
	s2 =	sadd.s32 s3, s2  }
0x8d: {  	s2 =	sadd.s32 s2, s17  }
0x8e: {  	[smem:$0x3FBE] =	sst s2  }
0x8f: {  	_ = 	snop  }
0x90: {  	s2 =	sld [smem:$0x3FD0];
	(tm) =	ssettm $0x1  }
0x91: {  	s18 =	sld [smem:$0x3FFB];
	_ =	sdelay $0x3  }
0x92: {  	_ =	strace s18  }
0x93: {  	s3 =	sld [smem:$0x3FFC];
	_ =	sdelay $0x3  }
0x94: {  	_ =	strace s3  }
0x95: {  	s3 =	sld [smem:$0x3FFD];
	_ =	sdelay $0x3  }
0x96: {  	_ =	strace s3  }
0x97: {  	_ =	strace $0x8FFFFFFF  }
0x98: {  	s19 =	sld [smem:$0x3FDB];
	_ =	sdelay $0x1  }
0x99: {  	s4 =	simm.s32 $_scs_section_size  }
0x9a: {  	s5 =	simm.s32 $_size__tile_overlayer_lowered;
	s6 =	simm.s32 $_tile_overlayer_lowered  }
0x9b: {  	s22 =	simm.s32 $0x1BFF;
	s21 =	sshll.u32 s6, $0x1;
	s3 =	sadd.s32 s4, s19  }
0x9c: {  	s7 =	simm.s32 $0x0;
	s20 =	sshll.u32 s5, $0x1;
	s5 =	sadd.s32 s21, s3  }
0x9d: {  	[timem:s7], [sflag:s22] =	dma.local [hbm:s5], s20  }
0x9e: {  	_ =	swait.ge [sflag:s22], s20  }
0x9f: {  	s4 =	ssub.s32 $0x0, s20;
	[sflag:s22] =	ssyncset.done $0x0  }
0xa0: {  	[sflag:s22] =	ssyncadd.s32 s4;
	_ =	sdelay $0x1  }
0xa1: {  	s23 =	simm.s32 $0x1B8B  }
0xa2: {  	_ =	swait.ge [sflag:s23], $0x1  }
0xa3: {  	[sflag:s23] =	ssyncset.done $0x0  }
0xa4: {  	s25 =	simm.s32 $0x1B8E;
	s24 =	sld [smem:$0x3FFE];
	[sflag:s23] =	ssyncadd.s32 $0xFFFFFFFF  }
0xa5: {  	s26 =	simm.s32 $execute0_lowered;
	[smem:$0x3FD2] =	sst s25  }
0xa6: {  	s5 =	sshll.u32 s26, $0x1;
	_ =	strace $0x80000046;
	[dreg:$0x1] =	wrdreg $0xFFFFFFFF  }
0xa7: {  	s28 =	simm.s32 $_size_execute0_lowered;
	s3 =	sadd.s32 s3, s5;
	[dreg:$0x0] =	wrdreg $0x0  }
0xa8: {  	s5 =	sshll.u32 s28, $0x1;
	[dreg:$0x2] =	wrdreg s3  }
0xa9: {  	[dreg:$0x3] =	wrdreg s5  }
0xaa: {  	[dreg:$0x4] =	wrdreg $0xC0  }
0xab: {  	_ =	task [dreg:s7], $0x5FFFF  }
0xac: {  	[dreg:$0x1] =	wrdreg $0xFFFFFFFF  }
0xad: {  	[dreg:$0x0] =	wrdreg $0x60  }
0xae: {  	[dreg:$0x2] =	wrdreg s24  }
0xaf: {  	[dreg:$0x3] =	wrdreg s2  }
0xb0: {  	[dreg:$0x4] =	wrdreg $0x81000  }
0xb1: {  	[dreg:$0x5] =	wrdreg $0x9  }
0xb2: {  	_ =	task.clear_ibuf [dreg:s7], $0x6FFFF;
	_ =	strace $0x90000046  }
0xb3: {  	s29 =	simm.s32 $0x9;
	_ =	strace $0x80000048  }
0xb4: {  	_ =	swait.ge [sflag:s29], $0x1  }
0xb5: {  	[sflag:s29] =	ssyncadd.s32 $0xFFFFFFFF  }
0xb6: {  	_ =	strace $0x90000048  }
0xb7: {  	_ =	sfence  }
0xb8: {  	s30 =	sld [smem:$0x0];
	_ =	sdelay $0x2  }
0xb9: {  	s31 =	sshll.u32 s1, $0xD;
	s1 =	sshrl.u32 s1, $0x2  }
0xba: {  	s3 =	sand.u32 $0x4000, s31;
	s1 =	sadd.s32 s1, s30  }
0xbb: {  	s0 =	sor.u32 s3, s0;
	s1 =	sshll.u32 s1, $0x11  }
0xbc: {  	s0 =	sor.u32 s1, s0  }
0xbd: {  	s0 =	sadd.s32 $0x8F2B, s0  }
0xbe: {  	[sflag:s0] =	ssyncadd.remote.s32 $0x1  }
0xbf: {  	_ =	sfence.sel $0xFFFF  }
0xc0: {  	[dreg:$0x0] =	wrdreg $0xFFFFFFFF;
	(pc) =	sbr.abs _section_cstart, $3  }
0xc1: {  	[dreg:$0x1] =	wrdreg $0xFFFFFFFF  }
0xc2: {  	_ =	task.clear_ibuf [dreg:s7], $0x2FFFF;
	_ =	strace $0x9FFFFFFF  }
0xc3: {  	(tm) =	ssettm $0x7FFFFFFF  }
tec
execute0_lowered:
.L_overlay_start_1:
0x0: {  	(tag) =	ssettag $0x1  }
0x1: {  	s8 =	rddreg [dreg:$0x0]  }
0x2: {  	s2 =	rddreg [dreg:$0x1]  }
0x3: {  	s3 =	rddreg [dreg:$0x2]  }
0x4: {  	s0 =	rddreg [dreg:$0x3]  }
0x5: {  	s5 =	srdreg.scid;
	s1 =	stileid.u32  }
0x6: {  	s4 =	simm.s32 $0x0;
	s16 =	simm.s32 $0x5900;
	s17 =	simm.s32 $0x3  }
0x7: {  	s18 =	simm.s32 $0x80;
	s19 =	simm.s32 $0x100;
	s20 =	simm.s32 $0x1  }
0x8: {  	s21 =	simm.s32 $0x2;
	s22 =	simm.s32 $0x3100;
	s23 =	simm.s32 $0x0  }
0x9: {  	s9 =	sand.u32 $0x1, s5;
	s10 =	smul.u32 $0xC800, s1;
	[smem:$0x7FF] =	sst s4  }
0xa: {  	s5 =	sadd.s32 $0x15600, s8;
	s6 =	sadd.s32 $0xB600, s8;
	s13 =	smul.u32 $0x32000, s1  }
0xb: {  	s7 =	smul.u32 $0xC8000, s9;
	_ =	strace $0x80000047;
	s12 =	ssub.s32 $0x2, s9  }
0xc: {  	s28 =	sshll.u32 s9, $0x4;
	s26 =	sshrl.u32 s12, $0x1;
	s29 =	sshrl.u32 s13, $0x2  }
0xd: {  	s30 =	sor.u32 s1, s28;
	s7 =	sadd.s32 s10, s7;
	s15 =	ssub.s32 s12, s26  }
0xe: {  	s31 =	sadd.s32 s29, s3;
	s13 =	smul.u32 $0x50, s30;
	s11 =	sshrl.u32 s7, $0x3  }
0xf: {  	v1 =	vlaneseq.u32;
	s7 =	sadd.s32 $0x1600, s8;
	s9 =	sadd.s32 $0x2800, s31;
	s12 =	sadd.s32 $0xA000, s31  }
0x10: {  	v0 =	vimm.f32 $0.0e+00;
	v1 =	vshrl.u32 v1, $0x3;
	s15 =	smax.u32 s15, $0x1;
	s14 =	sadd.s32 s11, s8;
	s8 =	sadd.s32 s10, s3  }
0x11: {  	v2 =	vor.u32 $0x2, v1;
	v3 =	vor.u32 $0x4, v1;
	v4 =	vor.u32 $0x6, v1;
	s10 =	sadd.s32 $0x5000, s31;
	s11 =	sadd.s32 $0x7800, s31;
	s14 =	sadd.s32 $0x2E600, s14  }
.LBB2_1:
0x12: {  	s24 =	smul.u32 $0xCCCD, s4;
	_ =	sdelay $0x1  }
0x13: {  	s25 =	sshrl.u32 s24, $0x12  }
0x14: {  	s26 =	simm.s32 $0x0;
	s24 =	simm.s32 $0x1;
	s28 =	smul.u32 $0x5, s25  }
.LBB2_2:
0x15: {  	s29 =	smul.u32 $0xCCCD, s24  }
0x16: {  	s30 =	smov.u32 s24;
	s25 =	smul.u32 $0x140, s25;
	p0 =	sne.s32 s24, $0x27F  }
.Ltmp0:
0x17: {  	s26 =	ssub.s32 s26, s28;
	(pc) =	sbr.rel @p0 .LBB2_2-.Ltmp0, $4  }
0x18: {  	s24 =	sadd.s32 $0x1, s24;
	s26 =	sand.u32 $0xFFFF, s26  }
0x19: {  	s28 =	sshrl.u32 s25, $0x2;
	s31 =	sshll.u32 s26, $0x4;
	s26 =	smov.u32 s30  }
0x1a: {  	s25 =	sshrl.u32 s29, $0x12;
	s29 =	sadd.s32 s31, s28  }
0x1b: {  	s28 =	smul.u32 $0x5, s25;
	[tilespmem:s29+$0x5900] =	vst v0  }
0x1c: {  	_ = 	snop  }
0x1d: {  	s25 =	smul.u32 $0x140, s25;
	s24 =	ssub.s32 s26, s28  }
0x1e: {  	s24 =	sand.u32 $0xFFFF, s24  }
0x1f: {  	s25 =	sshrl.u32 s25, $0x2;
	s24 =	sshll.u32 s24, $0x4  }
0x20: {  	s24 =	sadd.s32 s24, s25  }
0x21: {  	[tilespmem:s24+$0x5900] =	vst v0  }
0x22: {  	[spmem:s8] =	stream.linear.scatter [tilespmem:s16], [sflag:$0x3], $0x2800, $0x38;
	[tilespmem:$0x14900] =	vst v63  }
0x23: {  	_ =	swait.ge [sflag:s17], $0x2800  }
0x24: {  	[sflag:s17] =	ssyncset.done $0x0  }
0x25: {  	[sflag:s17] =	ssyncadd.s32 $0xFFFFD800  }
0x26: {  	[spmem:s9] =	stream.linear.scatter [tilespmem:s16], [sflag:$0x3], $0x2800, $0x38;
	[tilespmem:$0x14900] =	vst v63  }
0x27: {  	_ =	swait.ge [sflag:s17], $0x2800  }
0x28: {  	[sflag:s17] =	ssyncset.done $0x0  }
0x29: {  	[sflag:s17] =	ssyncadd.s32 $0xFFFFD800  }
0x2a: {  	[spmem:s10] =	stream.linear.scatter [tilespmem:s16], [sflag:$0x3], $0x2800, $0x38;
	[tilespmem:$0x14900] =	vst v63  }
0x2b: {  	_ =	swait.ge [sflag:s17], $0x2800  }
0x2c: {  	[sflag:s17] =	ssyncset.done $0x0  }
0x2d: {  	[sflag:s17] =	ssyncadd.s32 $0xFFFFD800  }
0x2e: {  	[spmem:s11] =	stream.linear.scatter [tilespmem:s16], [sflag:$0x3], $0x2800, $0x38;
	[tilespmem:$0x14900] =	vst v63  }
0x2f: {  	_ =	swait.ge [sflag:s17], $0x2800  }
0x30: {  	[sflag:s17] =	ssyncset.done $0x0  }
0x31: {  	[sflag:s17] =	ssyncadd.s32 $0xFFFFD800  }
0x32: {  	[spmem:s12] =	stream.linear.scatter [tilespmem:s16], [sflag:$0x3], $0x2800, $0x38;
	[tilespmem:$0x14900] =	vst v63  }
0x33: {  	_ =	swait.ge [sflag:s17], $0x2800  }
0x34: {  	[sflag:s17] =	ssyncset.done $0x0  }
0x35: {  	[sflag:s17] =	ssyncadd.s32 $0xFFFFD800  }
0x36: {  	s25 =	simm.s32 $0x0;
	s24 =	simm.s32 $0x0;
	[bflag:$0x0] =	sbarrier.arrive $0xFFFF  }
.LBB2_4:
0x37: {  	s26 =	sadd.s32 s13, s25  }
0x38: {  	s26 =	sshll.u32 s26, $0x4  }
0x39: {  	s28 =	sadd.s32 s6, s26  }
0x3a: {  	[tilespmem:s24], [sflag:$0x3] =	stream.linear.gather [hbm4b:s28+s24], $0x80, $0x38;
	[tilespmem:$0x14900] =	vst v63  }
0x3b: {  	_ =	swait.ge [sflag:s17], $0x80  }
0x3c: {  	[sflag:s17] =	ssyncset.done $0x0  }
0x3d: {  	s26 =	sadd.s32 s7, s26;
	[sflag:s17] =	ssyncadd.s32 $0xFFFFFF80  }
0x3e: {  	[tilespmem:s18], [sflag:$0x3] =	stream.linear.gather [hbm4b:s26+s24], $0x80, $0x38;
	[tilespmem:$0x14900] =	vst v63  }
0x3f: {  	_ =	swait.ge [sflag:s17], $0x80  }
0x40: {  	[sflag:s17] =	ssyncset.done $0x0  }
0x41: {  	[sflag:s17] =	ssyncadd.s32 $0xFFFFFF80  }
0x42: {  	[tilespmem:s19], [sflag:$0x1] =	stream.indirect.gather [hbm4b:s5+s18], $0x50, s24, s18, $0xb8;
	[tilespmem:$0x14900] =	vst v63  }
0x43: {  	s26 =	simm.s32 $0x2900  }
0x44: {  	[tilespmem:s26], [sflag:$0x2] =	stream.indirect.gather [hbm4b:s2+s18], $0x10, s18, s18, $0xb8;
	[tilespmem:$0x14900] =	vst v63  }
0x45: {  	_ =	swait.ge [sflag:s20], $0x2800  }
0x46: {  	[sflag:s20] =	ssyncset.done $0x0  }
0x47: {  	[sflag:s20] =	ssyncadd.s32 $0xFFFFD800  }
0x48: {  	_ =	swait.ge [sflag:s21], $0x800  }
0x49: {  	[sflag:s21] =	ssyncset.done $0x0  }
0x4a: {  	s28 =	simm.s32 $0x120;
	[sflag:s21] =	ssyncadd.s32 $0xFFFFF800  }
0x4b: {  	v5 =	vld [tilespmem:s28+$0x20]  }
0x4c: {  	v6 =	vld [tilespmem:s26+$0x0];
	_ =	sdelay $0x4  }
0x4d: {  	v5 =	vadd.f32 v6, v5;
	_ =	sdelay $0x1  }
0x4e: {  	v6 =	vmul.f32 $2.800000010e-01, v5  }
0x4f: {  	vm0 =	vge.f32 v5, $0.0e+00  }
0x50: {  	v5 =	vsel vm0, v5, v6  }
0x51: {  	v5 =	vmul.f32 $1.442695020e+00, v5;
	_ =	sdelay $0x1  }
0x52: {  	v6 =	vmov s24;
	(erf) = vpow2.f32 v5  }
0x53: {  	v5 =	vmul.u32 $0x50, v6;
	_ =	sdelay $0x1  }
0x54: {  	v5 =	vadd.s32 $0x40, v5  }
0x55: {  	v5 =	vbroadcast v5, $0x0;
	_ =	sdelay $0x1  }
0x56: {  	v6 =	vor.u32 v1, v5;
	_ =	sdelay $0x2  }
0x57: {  	s26 =	simm.s32 $0x3120;
	v7 =	vpop (erf)  }
0x58: {  	[tilespmem:s26+$0x20] =	vst v7  }
0x59: {  	v6 =	vld.idx.msk [tilespmem:v6+s22+$0x0], $0xffff  }
0x5a: {  	v7 =	vld [tilespmem:s28+$0xFFFFFFE0];
	_ =	sdelay $0x2  }
0x5b: {  	v8 =	vor.u32 v2, v5;
	_ =	sdelay $0x1  }
0x5c: {  	v6 =	vmul.f32 v7, v6;
	_ =	sdelay $0x1  }
0x5d: {  	[tilespmem:s26+$0xFFFFFFE0] =	vst v6  }
0x5e: {  	v6 =	vld.idx.msk [tilespmem:v8+s22+$0x0], $0xffff  }
0x5f: {  	v7 =	vld [tilespmem:s28+$0xFFFFFFF0];
	_ =	sdelay $0x2  }
0x60: {  	v8 =	vor.u32 v3, v5;
	_ =	sdelay $0x1  }
0x61: {  	v6 =	vmul.f32 v7, v6;
	_ =	sdelay $0x1  }
0x62: {  	[tilespmem:s26+$0xFFFFFFF0] =	vst v6  }
0x63: {  	v6 =	vld.idx.msk [tilespmem:v8+s22+$0x0], $0xffff  }
0x64: {  	v7 =	vld [tilespmem:s28+$0x0];
	_ =	sdelay $0x2  }
0x65: {  	v5 =	vor.u32 v4, v5;
	_ =	sdelay $0x1  }
0x66: {  	v6 =	vmul.f32 v7, v6;
	_ =	sdelay $0x1  }
0x67: {  	[tilespmem:s26+$0x0] =	vst v6  }
0x68: {  	v5 =	vld.idx.msk [tilespmem:v5+s22+$0x0], $0xffff  }
0x69: {  	v6 =	vld [tilespmem:s28+$0x10];
	_ =	sdelay $0x4  }
0x6a: {  	v5 =	vmul.f32 v6, v5;
	_ =	sdelay $0x1  }
0x6b: {  	s28 =	simm.s32 $0x170;
	[tilespmem:s26+$0x10] =	vst v5  }
0x6c: {  	s30 =	simm.s32 $0x2910;
	v5 =	vld [tilespmem:s28+$0x20]  }
0x6d: {  	s29 =	simm.s32 $0x1;
	s31 =	simm.s32 $0x2;
	v6 =	vld [tilespmem:s30+$0x0]  }
.LBB2_5:
0x6e: {  	p0 =	sne.s32 s31, $0x7F;
	_ =	sdelay $0x3  }
0x6f: {  	v5 =	vadd.f32 v6, v5;
	_ =	sdelay $0x1  }
0x70: {  	v6 =	vmul.f32 $2.800000010e-01, v5  }
0x71: {  	vm0 =	vge.f32 v5, $0.0e+00  }
0x72: {  	v5 =	vsel vm0, v5, v6  }
0x73: {  	v5 =	vmul.f32 $1.442695020e+00, v5;
	_ =	sdelay $0x1  }
0x74: {  	v6 =	vmov s29;
	s29 =	smov.u32 s31;
	(erf) = vpow2.f32 v5  }
0x75: {  	v5 =	vmul.u32 $0x50, v6;
	_ =	sdelay $0x1  }
0x76: {  	v5 =	vadd.s32 $0x40, v5  }
0x77: {  	v5 =	vbroadcast v5, $0x0;
	_ =	sdelay $0x1  }
0x78: {  	v6 =	vor.u32 v1, v5;
	_ =	sdelay $0x2  }
0x79: {  	s26 =	sadd.s32 $0x50, s26;
	v7 =	vpop (erf)  }
0x7a: {  	[tilespmem:s26+$0x20] =	vst v7  }
0x7b: {  	v6 =	vld.idx.msk [tilespmem:v6+s22+$0x0], $0xffff  }
0x7c: {  	v7 =	vld [tilespmem:s28+$0xFFFFFFE0];
	_ =	sdelay $0x2  }
0x7d: {  	v8 =	vor.u32 v2, v5;
	_ =	sdelay $0x1  }
0x7e: {  	v6 =	vmul.f32 v7, v6;
	_ =	sdelay $0x1  }
0x7f: {  	[tilespmem:s26+$0xFFFFFFE0] =	vst v6  }
0x80: {  	v6 =	vld.idx.msk [tilespmem:v8+s22+$0x0], $0xffff  }
0x81: {  	v7 =	vld [tilespmem:s28+$0xFFFFFFF0];
	_ =	sdelay $0x2  }
0x82: {  	v8 =	vor.u32 v3, v5;
	_ =	sdelay $0x1  }
0x83: {  	v6 =	vmul.f32 v7, v6;
	_ =	sdelay $0x1  }
0x84: {  	[tilespmem:s26+$0xFFFFFFF0] =	vst v6  }
0x85: {  	v6 =	vld.idx.msk [tilespmem:v8+s22+$0x0], $0xffff  }
0x86: {  	v7 =	vld [tilespmem:s28+$0x0];
	_ =	sdelay $0x2  }
0x87: {  	v5 =	vor.u32 v4, v5;
	_ =	sdelay $0x1  }
0x88: {  	v6 =	vmul.f32 v7, v6;
	_ =	sdelay $0x1  }
0x89: {  	[tilespmem:s26+$0x0] =	vst v6  }
0x8a: {  	v5 =	vld.idx.msk [tilespmem:v5+s22+$0x0], $0xffff  }
0x8b: {  	v6 =	vld [tilespmem:s28+$0x10];
	_ =	sdelay $0x4  }
.Ltmp1:
0x8c: {  	v5 =	vmul.f32 v6, v5;
	(pc) =	sbr.rel @p0 .LBB2_5-.Ltmp1, $4  }
0x8d: {  	_ = 	snop  }
0x8e: {  	s28 =	sadd.s32 $0x50, s28;
	[tilespmem:s26+$0x10] =	vst v5  }
0x8f: {  	s30 =	sadd.s32 $0x10, s30;
	v5 =	vld [tilespmem:s28+$0x20]  }
0x90: {  	s31 =	sadd.s32 $0x1, s31;
	v6 =	vld [tilespmem:s30+$0x0]  }
0x91: {  	_ =	sdelay $0x3  }
0x92: {  	v5 =	vadd.f32 v6, v5;
	_ =	sdelay $0x1  }
0x93: {  	v6 =	vmul.f32 $2.800000010e-01, v5  }
0x94: {  	vm0 =	vge.f32 v5, $0.0e+00  }
0x95: {  	v5 =	vsel vm0, v5, v6  }
0x96: {  	v5 =	vmul.f32 $1.442695020e+00, v5;
	_ =	sdelay $0x1  }
0x97: {  	v6 =	vmov s29;
	(erf) = vpow2.f32 v5  }
0x98: {  	v5 =	vmul.u32 $0x50, v6;
	_ =	sdelay $0x1  }
0x99: {  	v5 =	vadd.s32 $0x40, v5  }
0x9a: {  	v5 =	vbroadcast v5, $0x0;
	_ =	sdelay $0x1  }
0x9b: {  	v6 =	vor.u32 v1, v5;
	_ =	sdelay $0x2  }
0x9c: {  	s26 =	sadd.s32 $0x50, s26;
	v7 =	vpop (erf)  }
0x9d: {  	[tilespmem:s26+$0x20] =	vst v7  }
0x9e: {  	v6 =	vld.idx.msk [tilespmem:v6+s22+$0x0], $0xffff  }
0x9f: {  	v7 =	vld [tilespmem:s28+$0xFFFFFFE0];
	_ =	sdelay $0x2  }
0xa0: {  	v8 =	vor.u32 v2, v5;
	_ =	sdelay $0x1  }
0xa1: {  	v6 =	vmul.f32 v7, v6;
	_ =	sdelay $0x1  }
0xa2: {  	[tilespmem:s26+$0xFFFFFFE0] =	vst v6  }
0xa3: {  	v6 =	vld.idx.msk [tilespmem:v8+s22+$0x0], $0xffff  }
0xa4: {  	v7 =	vld [tilespmem:s28+$0xFFFFFFF0];
	_ =	sdelay $0x2  }
0xa5: {  	v63 =	vor.u32 v3, v5;
	_ =	sdelay $0x1  }
0xa6: {  	v6 =	vmul.f32 v7, v6;
	_ =	sdelay $0x1  }
0xa7: {  	[tilespmem:s26+$0xFFFFFFF0] =	vst v6  }
0xa8: {  	v6 =	vld.idx.msk [tilespmem:v63+s22+$0x0], $0xffff  }
0xa9: {  	v7 =	vld [tilespmem:s28+$0x0];
	_ =	sdelay $0x2  }
0xaa: {  	v5 =	vor.u32 v4, v5;
	_ =	sdelay $0x1  }
0xab: {  	v6 =	vmul.f32 v7, v6;
	_ =	sdelay $0x1  }
0xac: {  	[tilespmem:s26+$0x0] =	vst v6  }
0xad: {  	v5 =	vld.idx.msk [tilespmem:v5+s22+$0x0], $0xffff  }
0xae: {  	v6 =	vld [tilespmem:s28+$0x10];
	_ =	sdelay $0x4  }
0xaf: {  	s25 =	sadd.s32 $0x1, s25;
	v5 =	vmul.f32 v6, v5  }
0xb0: {  	p0 =	sne.s32 s25, $0x50  }
.Ltmp2:
0xb1: {  	[tilespmem:s26+$0x10] =	vst v5;
	(pc) =	sbr.rel @p0 .LBB2_4-.Ltmp2, $4  }
0xb2: {  	[spmem:s3] =	stream.indirect.scatter.add.f32 [tilespmem:s22], [sflag:$0x3], $0x50, s18, s18, $0xb8;
	[tilespmem:$0x14900] =	vst v63  }
0xb3: {  	_ =	swait.ge [sflag:s17], $0x2800  }
0xb4: {  	[sflag:s17] =	ssyncset.done $0x0  }
0xb5: {  	[sflag:s17] =	ssyncadd.s32 $0xFFFFD800  }
0xb6: {  	s23 =	sadd.s32 $0x1, s23  }
0xb7: {  	s24 =	sshll.u32 s1, $0x6;
	[bflag:$0x0] =	sbarrier.arrive $0xFFFF;
	p0 =	sne.s32 s23, s15  }
.Ltmp3:
0xb8: {  	s25 =	sshrl.u32 s8, $0x3;
	s24 =	sor.u32 $0x1C03, s24;
	(pc) =	sbr.rel @p0 .LBB2_1-.Ltmp3, $4  }
0xb9: {  	[hbm:s14], [sflag:s24] =	dma.local [spmem:s25], $0x1900  }
0xba: {  	_ =	swait.ge [sflag:s17], $0x1900  }
0xbb: {  	[sflag:s17] =	ssyncset.done $0x0  }
0xbc: {  	[sflag:s17] =	ssyncadd.s32 $0xFFFFE700  }
0xbd: {  	_ =	sfence.sel $0x180000  }
0xbe: {  	[bflag:$0x0] =	sbarrier.arrive $0xFFFF  }
0xbf: {  	p0 =	sne.s32 s1, $0x0;
	_ =	strace $0x90000047  }
0xc0: {  	s0 =	sadd.s32 @!p0 $0x100000, s0;
	[bflag:$0x2] =	sbarrier.arrive $0xFFFF  }
0xc1: {  	[sflag:s0] =	ssyncadd.tile.s32 @!p0 $0x1;
	_ =	shalt  }
.Lfunc_end2:
_tile_overlayer_lowered:
.L_overlay_start_2:
0xc2: {  	(tag) =	ssettag $0x2  }
0xc3: {  	s0 =	rddreg [dreg:$0x0];
	s2 =	stileid.u32  }
0xc4: {  	s1 =	rddreg [dreg:$0x1];
	p0 =	sne.s32 s2, $0x0  }
0xc5: {  	s3 =	rddreg [dreg:$0x2];
	[bflag:$0x3] =	sbarrier.arrive $0xFFFF;
	s2 =	simm.s32 @!p0 $0x1C03  }
0xc6: {  	[timem:s3], [sflag:s2] =	dma.local @!p0 [hbm:s0], s1  }
0xc7: {  	s0 =	simm.s32 @!p0 $0x3  }
0xc8: {  	_ =	swait.ge @!p0 [sflag:s0], s1  }
0xc9: {  	s1 =	ssub.s32 @!p0 $0x0, s1;
	[sflag:s0] =	ssyncset.done @!p0 $0x0  }
0xca: {  	[sflag:s0] =	ssyncadd.s32 @!p0 s1  }
0xcb: {  	[bflag:$0x3] =	sbarrier.arrive $0xFFFF  }
0xcc: {  	_ =	shalt  }

</sc_bundles>
